<compile_context>
chip_gen: v7x
topology: tpu7x:2x2x1
jax: 0.10.2.dev20260603
libtpu: 0.0.44.dev20260713+nightly
codegen_flags: <defaults>
</compile_context>

<pallas_src>
import functools
import math

import jax
import jax.numpy as jnp
from jax import lax
from jax.experimental import pallas as pl
from jax.experimental.pallas import tpu as pltpu
from jax.experimental.pallas import tpu_sc as plsc

D_MODEL = 64
SCALE = math.sqrt(D_MODEL)
NUM_CORES = 2
NUM_SUBCORES = 16
NUM_WORKERS = NUM_CORES * NUM_SUBCORES
BT = 128
LANES = 16


@functools.partial(jax.jit, static_argnames=("tokens", "seq"))
def _emb_lookup(idx_flat, lut, *, tokens, seq):
    tok_w = tokens // NUM_WORKERS
    bt_w = tok_w // BT
    n_chunks = seq * bt_w
    n_pairs = n_chunks // 2
    blk_minor = BT * (D_MODEL // 8)
    mesh = plsc.VectorSubcoreMesh(core_axis_name="c", subcore_axis_name="s")

    @functools.partial(
        pl.kernel,
        out_type=jax.ShapeDtypeStruct((seq, 8, tokens // BT, 8, BT),
                                      jnp.float32),
        mesh=mesh,
        scratch_types=[
            pltpu.VMEM((tok_w * seq,), jnp.int32),
            pltpu.VMEM((tok_w * seq,), jnp.int32),
            pltpu.VMEM((BT, D_MODEL), jnp.float32),
            pltpu.VMEM((BT, D_MODEL), jnp.float32),
            pltpu.VMEM((8, 8, BT + 1), jnp.float32),
            pltpu.VMEM((8, 8, BT + 1), jnp.float32),
            pltpu.SemaphoreType.DMA,
            pltpu.SemaphoreType.DMA,
            pltpu.SemaphoreType.DMA,
            pltpu.SemaphoreType.DMA,
        ],
        compiler_params=pltpu.CompilerParams(
            use_tc_tiling_on_sc=False, needs_layout_passes=False),
    )
    def body(lut_hbm, idx_hbm, out_hbm, idx_all, idx_t, rows0, rows1,
             blk0, blk1, sg0, sg1, so0, so1):
        wid = lax.axis_index("s") * NUM_CORES + lax.axis_index("c")
        lane = lax.iota(jnp.int32, LANES)

        pltpu.sync_copy(idx_hbm.at[pl.ds(wid * (tok_w * seq), tok_w * seq)],
                        idx_all)
        lane_seq = lane * seq

        def s_loop(s, _):
            def jg_loop(jg, _):
                addr = lane_seq + (jg * (LANES * seq) + s)
                idx_t[pl.ds(s * tok_w + jg * LANES, LANES)] = (
                    plsc.load_gather(idx_all, [addr]))
                return 0
            lax.fori_loop(0, tok_w // LANES, jg_loop, 0)
            return 0
        lax.fori_loop(0, seq, s_loop, 0)

        def g_copy(c, rows, sem):
            return pltpu.make_async_copy(
                lut_hbm.at[idx_t.at[pl.ds(c * BT, BT)]], rows, sem)

        def o_copy(c, blk, sem):
            s = c // bt_w
            btg = wid * bt_w + lax.rem(c, bt_w)
            return pltpu.make_async_copy(
                blk.at[:, :, pl.ds(0, BT)], out_hbm.at[s, :, btg, :, :], sem)

        lane_hi = lane >> 3
        lane_lo = lane & 7

        def transpose_scale(rows, blk):
            @plsc.parallel_loop(0, BT, 1, unroll=8)
            def _(i):
                i_vec = lane * 0 + i
                for dg in range(D_MODEL // LANES):
                    v = rows[i, pl.ds(dg * LANES, LANES)] * SCALE
                    plsc.store_scatter(
                        blk, [lane_hi + dg * 2, lane_lo, i_vec], v)

        g_copy(0, rows0, sg0).start()

        def pair(t, _):
            a = 2 * t

            @pl.when(t > 0)
            def _():
                o_copy(a - 1, blk1, so1).wait()

            g_copy(a + 1, rows1, sg1).start()
            g_copy(a, rows0, sg0).wait()
            transpose_scale(rows0, blk0)
            o_copy(a, blk0, so0).start()

            g_copy(a + 1, rows1, sg1).wait()
            transpose_scale(rows1, blk1)
            o_copy(a + 1, blk1, so1).start()

            @pl.when(t < n_pairs - 1)
            def _():
                o_copy(a, blk0, so0).wait()
                g_copy(a + 2, rows0, sg0).start()

            return 0

        lax.fori_loop(0, n_pairs, pair, 0)
        o_copy(n_chunks - 2, blk0, so0).wait()
        o_copy(n_chunks - 1, blk1, so1).wait()

    return body(lut, idx_flat)


def kernel(x, lut):
    tokens, seq = x.shape
    out = _emb_lookup(x.reshape(tokens * seq), lut, tokens=tokens, seq=seq)
    out = jnp.transpose(out, (2, 4, 0, 1, 3))
    return out.reshape(tokens, seq, D_MODEL)

# --- scband reference (transcript-rebuilt; emitter-appended) ---
"""Pipeline reference for scband-embeddings-45930380263742 (READ-ONLY COPY).

The authoritative reference and input builder live on the scoring server;
editing this copy changes nothing except your own understanding.
"""

import jax, jax.numpy as jnp
import numpy as np
import math

VOCAB = 1000000
D_MODEL = 64

def setup_inputs(seed: int = 0) -> dict:
    key = jax.random.key(seed)
    k1, k2 = jax.random.split(key)
    x = jax.random.randint(k1, (16384, 50), 0, VOCAB, dtype=jnp.int64 if jax.config.jax_enable_x64 else jnp.int32).astype(jnp.int32)
    lut = jax.random.normal(k2, (VOCAB, D_MODEL), dtype=jnp.float32)
    # nn.Embedding(padding_idx=0): row 0 is zero
    lut = lut.at[0].set(0.0)
    return {"x": x, "lut": lut}

def reference(x, lut):
    # Embeddings.forward: self.lut(x) * sqrt(d_model), padding_idx=0 row forced to zero
    lut_masked = lut.at[0].set(0.0)
    emb = jnp.take(lut_masked, x, axis=0)
    return emb * math.sqrt(D_MODEL)

if __name__ == "__main__":
    import jax
    _d = setup_inputs()
    print(jax.jit(kernel)(*tuple(_d.values())))

</pallas_src>

<mosaic_0001>
#map = affine_map<(d0, d1) -> (0, 0)>
#map1 = affine_map<(d0, d1) -> (0)>
#map2 = affine_map<(d0, d1) -> (0, 0, 0, 0, 0)>
module attributes {stable_mosaic.version = 14 : i64} {
  func.func @body(%arg0: i32, %arg1: i32, %arg2: memref<1000000x64xf32, #tpu.memory_space<hbm>>, %arg3: memref<819200xi32, #tpu.memory_space<hbm>>, %arg4: memref<50x8x128x8x128xf32, #tpu.memory_space<hbm>>, %arg5: memref<25600xi32, #tpu.memory_space<vmem>>, %arg6: memref<25600xi32, #tpu.memory_space<vmem>>, %arg7: memref<128x64xf32, #tpu.memory_space<vmem>>, %arg8: memref<128x64xf32, #tpu.memory_space<vmem>>, %arg9: memref<8x8x129xf32, #tpu.memory_space<vmem>>, %arg10: memref<8x8x129xf32, #tpu.memory_space<vmem>>, %arg11: memref<!tpu.dma_semaphore, #tpu.memory_space<semaphore_mem>>, %arg12: memref<!tpu.dma_semaphore, #tpu.memory_space<semaphore_mem>>, %arg13: memref<!tpu.dma_semaphore, #tpu.memory_space<semaphore_mem>>, %arg14: memref<!tpu.dma_semaphore, #tpu.memory_space<semaphore_mem>>) attributes {dimension_semantics = [#tpu.dimension_semantics<core_parallel>, #tpu.dimension_semantics<subcore_parallel>], iteration_bounds = array<i64: 2, 16>, scalar_prefetch = 0 : i64, scratch_operands = 10 : i64, tpu.core_type = #tpu.core_type<sc_vector_subcore>, window_params = [{transform_indices = #map}, {transform_indices = #map1}, {transform_indices = #map2}]} {
    %mul3A = arith.constant 2 : i32
    %mul3A_0 = arith.muli %arg1, %mul3A : i32
    %add3A = arith.addi %mul3A_0, %arg0 : i32
    %iota3A = tpu.iota {dimensions = array<i32: 0>} : vector<16xi32>
    %mul3A_1 = arith.constant 25600 : i32
    %mul3A_2 = arith.muli %add3A, %mul3A_1 : i32
    "tpu.region"() ({
      %run_scoped3A = tpu.sem_alloc : memref<!tpu.dma_semaphore, #tpu.memory_space<semaphore_mem>>
      %dma_start3A_75 = tpu.memref_slice %arg3[%mul3A_2] : memref<819200xi32, #tpu.memory_space<hbm>> -> memref<25600xi32, #tpu.memory_space<hbm>>
      %dma_start3A_76 = tpu.memref_slice %arg3[%mul3A_2] : memref<819200xi32, #tpu.memory_space<hbm>> -> memref<25600xi32, #tpu.memory_space<hbm>>
      tpu.enqueue_dma source(%dma_start3A_76 : memref<25600xi32, #tpu.memory_space<hbm>>) target(%arg5 : memref<25600xi32, #tpu.memory_space<vmem>>) target_semaphore(%run_scoped3A : memref<!tpu.dma_semaphore, #tpu.memory_space<semaphore_mem>>)
      %dma_wait3A_77 = tpu.memref_slice %arg3[%mul3A_2] : memref<819200xi32, #tpu.memory_space<hbm>> -> memref<25600xi32, #tpu.memory_space<hbm>>
      %dma_wait3A_78 = tpu.memref_slice %arg3[%mul3A_2] : memref<819200xi32, #tpu.memory_space<hbm>> -> memref<25600xi32, #tpu.memory_space<hbm>>
      tpu.wait_dma2 semaphore(%run_scoped3A : memref<!tpu.dma_semaphore, #tpu.memory_space<semaphore_mem>>) src(%dma_wait3A_78 : memref<25600xi32, #tpu.memory_space<hbm>>) dst(%arg5 : memref<25600xi32, #tpu.memory_space<vmem>>)
      tpu.yield
    }) : () -> ()
    %mul3A_3 = arith.constant 50 : i32
    %mul3A_4 = vector.broadcast %mul3A_3 : i32 to vector<16xi32>
    %mul3A_5 = arith.muli %iota3A, %mul3A_4 : vector<16xi32>
    %scan3A = arith.constant 0 : i32
    %scan3A_6 = arith.constant 0 : i32
    %scan3A_7 = arith.constant 50 : i32
    %scan3A_8 = arith.addi %scan3A_6, %scan3A_7 : i32
    %scan3A_9 = arith.constant 1 : i32
    %scan3A_10 = scf.for %scan3A_75 = %scan3A_6 to %scan3A_8 step %scan3A_9 iter_args(%scan3A_76 = %scan3A) -> (i32)  : i32 {
      %scan3A_77 = arith.constant 0 : i32
      %scan3A_78 = arith.constant 0 : i32
      %scan3A_79 = arith.constant 32 : i32
      %scan3A_80 = arith.addi %scan3A_78, %scan3A_79 : i32
      %scan3A_81 = arith.constant 1 : i32
      %scan3A_82 = scf.for %scan3A_85 = %scan3A_78 to %scan3A_80 step %scan3A_81 iter_args(%scan3A_86 = %scan3A_77) -> (i32)  : i32 {
        %mul3A_87 = arith.constant 800 : i32
        %mul3A_88 = arith.muli %scan3A_85, %mul3A_87 : i32
        %add3A_89 = arith.addi %mul3A_88, %scan3A_75 : i32
        %add3A_90 = vector.broadcast %add3A_89 : i32 to vector<16xi32>
        %add3A_91 = arith.addi %mul3A_5, %add3A_90 : vector<16xi32>
        %gather3A = tpu.vector_load_idx %arg5[%add3A_91] : memref<25600xi32, #tpu.memory_space<vmem>>[vector<16xi32>], vector<16xi32>,
        %mul3A_92 = arith.constant 512 : i32
        %mul3A_93 = arith.muli %scan3A_75, %mul3A_92 : i32
        %mul3A_94 = arith.constant 16 : i32
        %mul3A_95 = arith.muli %scan3A_85, %mul3A_94 : i32
        %add3A_96 = arith.addi %mul3A_93, %mul3A_95 : i32
        %swap3A = arith.index_cast %add3A_96 : i32 to index
        %swap3A_97 = tpu.vector_load %arg6[%swap3A] {strides = array<i32>} : memref<25600xi32, #tpu.memory_space<vmem>>, vector<16xi32>,
        tpu.vector_store %arg6[%swap3A], %gather3A {strides = array<i32>} : memref<25600xi32, #tpu.memory_space<vmem>>, vector<16xi32>,
        %scan3A_98 = arith.constant 0 : i32
        scf.yield %scan3A_98 : i32
      }
      %scan3A_83 = arith.constant 32 : i32
      %scan3A_84 = arith.constant 0 : i32
      scf.yield %scan3A_84 : i32
    }
    %scan3A_11 = arith.constant 50 : i32
    %shift_right_arithmetic3A = arith.constant 3 : i32
    %shift_right_arithmetic3A_12 = vector.broadcast %shift_right_arithmetic3A : i32 to vector<16xi32>
    %shift_right_arithmetic3A_13 = arith.shrsi %iota3A, %shift_right_arithmetic3A_12 : vector<16xi32>
    %and3A = arith.constant 7 : i32
    %and3A_14 = vector.broadcast %and3A : i32 to vector<16xi32>
    %and3A_15 = arith.andi %iota3A, %and3A_14 : vector<16xi32>
    %dma_start3A = arith.constant 0 : i32
    %dma_start3A_16 = tpu.memref_slice %arg6[%dma_start3A] : memref<25600xi32, #tpu.memory_space<vmem>> -> memref<128xi32, #tpu.memory_space<vmem>>
    %dma_start3A_17 = arith.constant 0 : i32
    %dma_start3A_18 = arith.constant 0 : i32
    %dma_start3A_19 = tpu.memref_slice %arg2[%dma_start3A_17, %dma_start3A_18] : memref<1000000x64xf32, #tpu.memory_space<hbm>> -> memref<1000000x64xf32, #tpu.memory_space<hbm>>
    tpu.enqueue_indirect_dma source(%dma_start3A_19 : memref<1000000x64xf32, #tpu.memory_space<hbm>>) target(%arg7 : memref<128x64xf32, #tpu.memory_space<vmem>>) offsets(%dma_start3A_16 : memref<128xi32, #tpu.memory_space<vmem>>) semaphore(%arg11 : memref<!tpu.dma_semaphore, #tpu.memory_space<semaphore_mem>>)
    %scan3A_20 = arith.constant 0 : i32
    %scan3A_21 = arith.constant 0 : i32
    %scan3A_22 = arith.constant 100 : i32
    %scan3A_23 = arith.addi %scan3A_21, %scan3A_22 : i32
    %scan3A_24 = arith.constant 1 : i32
    %scan3A_25 = scf.for %scan3A_75 = %scan3A_21 to %scan3A_23 step %scan3A_24 iter_args(%scan3A_76 = %scan3A_20) -> (i32)  : i32 {
      %mul3A_77 = arith.constant 2 : i32
      %mul3A_78 = arith.muli %mul3A_77, %scan3A_75 : i32
      %gt3A = arith.constant 0 : i32
      %gt3A_79 = arith.cmpi sgt, %scan3A_75, %gt3A : i32
      %convert_element_type3A = arith.extui %gt3A_79 : i1 to i32
      %cond3A = arith.constant 0 : i32
      %cond3A_80 = arith.cmpi ne, %convert_element_type3A, %cond3A : i32
      scf.if %cond3A_80 {
        %sub3A_203 = arith.constant 1 : i32
        %sub3A_204 = arith.subi %mul3A_78, %sub3A_203 : i32
        %jit3A_205 = arith.constant 4 : i32
        %div3A_206 = arith.divsi %sub3A_204, %jit3A_205 : i32
        %sign3A_207 = arith.constant 0 : i32
        %sign3A_208 = arith.cmpi sgt, %sub3A_204, %sign3A_207 : i32
        %sign3A_209 = arith.extui %sign3A_208 : i1 to i32
        %sign3A_210 = arith.constant 0 : i32
        %sign3A_211 = arith.cmpi slt, %sub3A_204, %sign3A_210 : i32
        %sign3A_212 = arith.extui %sign3A_211 : i1 to i32
        %sign3A_213 = arith.subi %sign3A_209, %sign3A_212 : i32
        %sign3A_214 = arith.constant 0 : i32
        %sign3A_215 = arith.cmpi sgt, %jit3A_205, %sign3A_214 : i32
        %sign3A_216 = arith.extui %sign3A_215 : i1 to i32
        %sign3A_217 = arith.constant 0 : i32
        %sign3A_218 = arith.cmpi slt, %jit3A_205, %sign3A_217 : i32
        %sign3A_219 = arith.extui %sign3A_218 : i1 to i32
        %sign3A_220 = arith.subi %sign3A_216, %sign3A_219 : i32
        %ne3A_221 = arith.cmpi ne, %sign3A_213, %sign3A_220 : i32
        %rem3A_222 = arith.remsi %sub3A_204, %jit3A_205 : i32
        %ne3A_223 = arith.constant 0 : i32
        %ne3A_224 = arith.cmpi ne, %rem3A_222, %ne3A_223 : i32
        %and3A_225 = arith.andi %ne3A_221, %ne3A_224 : i1
        %sub3A_226 = arith.constant 1 : i32
        %sub3A_227 = arith.subi %div3A_206, %sub3A_226 : i32
        %select_n3A_228 = arith.select %and3A_225, %sub3A_227, %div3A_206 : i32
        %mul3A_229 = arith.constant 4 : i32
        %mul3A_230 = arith.muli %add3A, %mul3A_229 : i32
        %rem3A_231 = arith.constant 4 : i32
        %rem3A_232 = arith.remsi %sub3A_204, %rem3A_231 : i32
        %add3A_233 = arith.addi %mul3A_230, %rem3A_232 : i32
        %dma_wait3A_234 = arith.constant 0 : i32
        %dma_wait3A_235 = arith.constant 0 : i32
        %dma_wait3A_236 = arith.constant 0 : i32
        %dma_wait3A_237 = tpu.memref_slice %arg10[%dma_wait3A_234, %dma_wait3A_235, %dma_wait3A_236] : memref<8x8x129xf32, #tpu.memory_space<vmem>> -> memref<8x8x128xf32, #tpu.memory_space<vmem>>
        %dma_wait3A_238 = arith.constant 0 : i32
        %dma_wait3A_239 = arith.constant 0 : i32
        %dma_wait3A_240 = arith.constant 0 : i32
        %dma_wait3A_241 = tpu.memref_slice %arg4[%select_n3A_228, %dma_wait3A_238, %add3A_233, %dma_wait3A_239, %dma_wait3A_240] : memref<50x8x128x8x128xf32, #tpu.memory_space<hbm>> -> memref<1x8x1x8x128xf32, #tpu.memory_space<hbm>>
        %dma_wait3A_242 = tpu.memref_squeeze %dma_wait3A_241 : memref<1x8x1x8x128xf32, #tpu.memory_space<hbm>> -> memref<8x8x128xf32, #tpu.memory_space<hbm>>
        %dma_wait3A_243 = arith.constant 0 : i32
        %dma_wait3A_244 = arith.constant 0 : i32
        %dma_wait3A_245 = arith.constant 0 : i32
        %dma_wait3A_246 = tpu.memref_slice %arg4[%select_n3A_228, %dma_wait3A_243, %add3A_233, %dma_wait3A_244, %dma_wait3A_245] : memref<50x8x128x8x128xf32, #tpu.memory_space<hbm>> -> memref<1x8x1x8x128xf32, #tpu.memory_space<hbm>>
        %dma_wait3A_247 = tpu.memref_squeeze %dma_wait3A_246 : memref<1x8x1x8x128xf32, #tpu.memory_space<hbm>> -> memref<8x8x128xf32, #tpu.memory_space<hbm>>
        %dma_wait3A_248 = arith.constant 0 : i32
        %dma_wait3A_249 = arith.constant 0 : i32
        %dma_wait3A_250 = arith.constant 0 : i32
        %dma_wait3A_251 = tpu.memref_slice %arg10[%dma_wait3A_248, %dma_wait3A_249, %dma_wait3A_250] : memref<8x8x129xf32, #tpu.memory_space<vmem>> -> memref<8x8x128xf32, #tpu.memory_space<vmem>>
        tpu.wait_dma2 semaphore(%arg14 : memref<!tpu.dma_semaphore, #tpu.memory_space<semaphore_mem>>) src(%dma_wait3A_251 : memref<8x8x128xf32, #tpu.memory_space<vmem>>) dst(%dma_wait3A_247 : memref<8x8x128xf32, #tpu.memory_space<hbm>>)
      } else {
      }
      %add3A_81 = arith.constant 1 : i32
      %add3A_82 = arith.addi %mul3A_78, %add3A_81 : i32
      %mul3A_83 = arith.constant 128 : i32
      %mul3A_84 = arith.muli %add3A_82, %mul3A_83 : i32
      %dma_start3A_85 = tpu.memref_slice %arg6[%mul3A_84] : memref<25600xi32, #tpu.memory_space<vmem>> -> memref<128xi32, #tpu.memory_space<vmem>>
      %dma_start3A_86 = arith.constant 0 : i32
      %dma_start3A_87 = arith.constant 0 : i32
      %dma_start3A_88 = tpu.memref_slice %arg2[%dma_start3A_86, %dma_start3A_87] : memref<1000000x64xf32, #tpu.memory_space<hbm>> -> memref<1000000x64xf32, #tpu.memory_space<hbm>>
      tpu.enqueue_indirect_dma source(%dma_start3A_88 : memref<1000000x64xf32, #tpu.memory_space<hbm>>) target(%arg8 : memref<128x64xf32, #tpu.memory_space<vmem>>) offsets(%dma_start3A_85 : memref<128xi32, #tpu.memory_space<vmem>>) semaphore(%arg12 : memref<!tpu.dma_semaphore, #tpu.memory_space<semaphore_mem>>)
      %mul3A_89 = arith.constant 128 : i32
      %mul3A_90 = arith.muli %mul3A_78, %mul3A_89 : i32
      %dma_wait3A_91 = tpu.memref_slice %arg6[%mul3A_90] : memref<25600xi32, #tpu.memory_space<vmem>> -> memref<128xi32, #tpu.memory_space<vmem>>
      %dma_wait3A_92 = arith.constant 0 : i32
      %dma_wait3A_93 = arith.constant 0 : i32
      %dma_wait3A_94 = tpu.memref_slice %arg2[%dma_wait3A_92, %dma_wait3A_93] : memref<1000000x64xf32, #tpu.memory_space<hbm>> -> memref<1000000x64xf32, #tpu.memory_space<hbm>>
      tpu.wait_indirect_dma semaphore(%arg11 : memref<!tpu.dma_semaphore, #tpu.memory_space<semaphore_mem>>) src(%dma_wait3A_94 : memref<1000000x64xf32, #tpu.memory_space<hbm>>) dst(%arg7 : memref<128x64xf32, #tpu.memory_space<vmem>>)
      %parallel_loop3A = arith.constant 0 : i32
      %parallel_loop3A_95 = arith.constant 128 : i32
      %parallel_loop3A_96 = arith.constant 1 : i32
      scf.for %parallel_loop3A_203 = %parallel_loop3A to %parallel_loop3A_95 step %parallel_loop3A_96  : i32 {
        %parallel_loop3A_204 = arith.constant 0 : i32
        %parallel_loop3A_205 = vector.broadcast %parallel_loop3A_204 : i32 to vector<16xi32>
        %parallel_loop3A_206 = arith.muli %iota3A, %parallel_loop3A_205 : vector<16xi32>
        %parallel_loop3A_207 = vector.broadcast %parallel_loop3A_203 : i32 to vector<16xi32>
        %parallel_loop3A_208 = arith.addi %parallel_loop3A_206, %parallel_loop3A_207 : vector<16xi32>
        %parallel_loop3A_209 = arith.index_cast %parallel_loop3A_203 : i32 to index
        %parallel_loop3A_210 = arith.constant 0 : index
        %parallel_loop3A_211 = tpu.vector_load %arg7[%parallel_loop3A_209, %parallel_loop3A_210] {strides = array<i32>} : memref<128x64xf32, #tpu.memory_space<vmem>>, vector<16xf32>,
        %parallel_loop3A_212 = arith.constant 8.000000e+00 : f32
        %parallel_loop3A_213 = vector.broadcast %parallel_loop3A_212 : f32 to vector<16xf32>
        %parallel_loop3A_214 = arith.mulf %parallel_loop3A_211, %parallel_loop3A_213 : vector<16xf32>
        %parallel_loop3A_215 = arith.constant 0 : i32
        %parallel_loop3A_216 = vector.broadcast %parallel_loop3A_215 : i32 to vector<16xi32>
        %parallel_loop3A_217 = arith.addi %shift_right_arithmetic3A_13, %parallel_loop3A_216 : vector<16xi32>
        tpu.vector_store_idx %arg9[%parallel_loop3A_217, %and3A_15, %parallel_loop3A_208], %parallel_loop3A_214 : memref<8x8x129xf32, #tpu.memory_space<vmem>>[vector<16xi32>, vector<16xi32>, vector<16xi32>], vector<16xf32>,
        %parallel_loop3A_218 = arith.index_cast %parallel_loop3A_203 : i32 to index
        %parallel_loop3A_219 = arith.constant 16 : index
        %parallel_loop3A_220 = tpu.vector_load %arg7[%parallel_loop3A_218, %parallel_loop3A_219] {strides = array<i32>} : memref<128x64xf32, #tpu.memory_space<vmem>>, vector<16xf32>,
        %parallel_loop3A_221 = arith.constant 8.000000e+00 : f32
        %parallel_loop3A_222 = vector.broadcast %parallel_loop3A_221 : f32 to vector<16xf32>
        %parallel_loop3A_223 = arith.mulf %parallel_loop3A_220, %parallel_loop3A_222 : vector<16xf32>
        %parallel_loop3A_224 = arith.constant 2 : i32
        %parallel_loop3A_225 = vector.broadcast %parallel_loop3A_224 : i32 to vector<16xi32>
        %parallel_loop3A_226 = arith.addi %shift_right_arithmetic3A_13, %parallel_loop3A_225 : vector<16xi32>
        tpu.vector_store_idx %arg9[%parallel_loop3A_226, %and3A_15, %parallel_loop3A_208], %parallel_loop3A_223 : memref<8x8x129xf32, #tpu.memory_space<vmem>>[vector<16xi32>, vector<16xi32>, vector<16xi32>], vector<16xf32>,
        %parallel_loop3A_227 = arith.index_cast %parallel_loop3A_203 : i32 to index
        %parallel_loop3A_228 = arith.constant 32 : index
        %parallel_loop3A_229 = tpu.vector_load %arg7[%parallel_loop3A_227, %parallel_loop3A_228] {strides = array<i32>} : memref<128x64xf32, #tpu.memory_space<vmem>>, vector<16xf32>,
        %parallel_loop3A_230 = arith.constant 8.000000e+00 : f32
        %parallel_loop3A_231 = vector.broadcast %parallel_loop3A_230 : f32 to vector<16xf32>
        %parallel_loop3A_232 = arith.mulf %parallel_loop3A_229, %parallel_loop3A_231 : vector<16xf32>
        %parallel_loop3A_233 = arith.constant 4 : i32
        %parallel_loop3A_234 = vector.broadcast %parallel_loop3A_233 : i32 to vector<16xi32>
        %parallel_loop3A_235 = arith.addi %shift_right_arithmetic3A_13, %parallel_loop3A_234 : vector<16xi32>
        tpu.vector_store_idx %arg9[%parallel_loop3A_235, %and3A_15, %parallel_loop3A_208], %parallel_loop3A_232 : memref<8x8x129xf32, #tpu.memory_space<vmem>>[vector<16xi32>, vector<16xi32>, vector<16xi32>], vector<16xf32>,
        %parallel_loop3A_236 = arith.index_cast %parallel_loop3A_203 : i32 to index
        %parallel_loop3A_237 = arith.constant 48 : index
        %parallel_loop3A_238 = tpu.vector_load %arg7[%parallel_loop3A_236, %parallel_loop3A_237] {strides = array<i32>} : memref<128x64xf32, #tpu.memory_space<vmem>>, vector<16xf32>,
        %parallel_loop3A_239 = arith.constant 8.000000e+00 : f32
        %parallel_loop3A_240 = vector.broadcast %parallel_loop3A_239 : f32 to vector<16xf32>
        %parallel_loop3A_241 = arith.mulf %parallel_loop3A_238, %parallel_loop3A_240 : vector<16xf32>
        %parallel_loop3A_242 = arith.constant 6 : i32
        %parallel_loop3A_243 = vector.broadcast %parallel_loop3A_242 : i32 to vector<16xi32>
        %parallel_loop3A_244 = arith.addi %shift_right_arithmetic3A_13, %parallel_loop3A_243 : vector<16xi32>
        tpu.vector_store_idx %arg9[%parallel_loop3A_244, %and3A_15, %parallel_loop3A_208], %parallel_loop3A_241 : memref<8x8x129xf32, #tpu.memory_space<vmem>>[vector<16xi32>, vector<16xi32>, vector<16xi32>], vector<16xf32>,
      } {sc.loop_unroll_factor = 8 : i64, sc.parallel_access}
      %jit3A = arith.constant 4 : i32
      %div3A = arith.divsi %mul3A_78, %jit3A : i32
      %sign3A = arith.constant 0 : i32
      %sign3A_97 = arith.cmpi sgt, %mul3A_78, %sign3A : i32
      %sign3A_98 = arith.extui %sign3A_97 : i1 to i32
      %sign3A_99 = arith.constant 0 : i32
      %sign3A_100 = arith.cmpi slt, %mul3A_78, %sign3A_99 : i32
      %sign3A_101 = arith.extui %sign3A_100 : i1 to i32
      %sign3A_102 = arith.subi %sign3A_98, %sign3A_101 : i32
      %sign3A_103 = arith.constant 0 : i32
      %sign3A_104 = arith.cmpi sgt, %jit3A, %sign3A_103 : i32
      %sign3A_105 = arith.extui %sign3A_104 : i1 to i32
      %sign3A_106 = arith.constant 0 : i32
      %sign3A_107 = arith.cmpi slt, %jit3A, %sign3A_106 : i32
      %sign3A_108 = arith.extui %sign3A_107 : i1 to i32
      %sign3A_109 = arith.subi %sign3A_105, %sign3A_108 : i32
      %ne3A = arith.cmpi ne, %sign3A_102, %sign3A_109 : i32
      %rem3A_110 = arith.remsi %mul3A_78, %jit3A : i32
      %ne3A_111 = arith.constant 0 : i32
      %ne3A_112 = arith.cmpi ne, %rem3A_110, %ne3A_111 : i32
      %and3A_113 = arith.andi %ne3A, %ne3A_112 : i1
      %sub3A = arith.constant 1 : i32
      %sub3A_114 = arith.subi %div3A, %sub3A : i32
      %select_n3A = arith.select %and3A_113, %sub3A_114, %div3A : i32
      %mul3A_115 = arith.constant 4 : i32
      %mul3A_116 = arith.muli %add3A, %mul3A_115 : i32
      %rem3A_117 = arith.constant 4 : i32
      %rem3A_118 = arith.remsi %mul3A_78, %rem3A_117 : i32
      %add3A_119 = arith.addi %mul3A_116, %rem3A_118 : i32
      %dma_start3A_120 = arith.constant 0 : i32
      %dma_start3A_121 = arith.constant 0 : i32
      %dma_start3A_122 = arith.constant 0 : i32
      %dma_start3A_123 = tpu.memref_slice %arg9[%dma_start3A_120, %dma_start3A_121, %dma_start3A_122] : memref<8x8x129xf32, #tpu.memory_space<vmem>> -> memref<8x8x128xf32, #tpu.memory_space<vmem>>
      %dma_start3A_124 = arith.constant 0 : i32
      %dma_start3A_125 = arith.constant 0 : i32
      %dma_start3A_126 = arith.constant 0 : i32
      %dma_start3A_127 = tpu.memref_slice %arg4[%select_n3A, %dma_start3A_124, %add3A_119, %dma_start3A_125, %dma_start3A_126] : memref<50x8x128x8x128xf32, #tpu.memory_space<hbm>> -> memref<1x8x1x8x128xf32, #tpu.memory_space<hbm>>
      %dma_start3A_128 = tpu.memref_squeeze %dma_start3A_127 : memref<1x8x1x8x128xf32, #tpu.memory_space<hbm>> -> memref<8x8x128xf32, #tpu.memory_space<hbm>>
      %dma_start3A_129 = arith.constant 0 : i32
      %dma_start3A_130 = arith.constant 0 : i32
      %dma_start3A_131 = arith.constant 0 : i32
      %dma_start3A_132 = tpu.memref_slice %arg4[%select_n3A, %dma_start3A_129, %add3A_119, %dma_start3A_130, %dma_start3A_131] : memref<50x8x128x8x128xf32, #tpu.memory_space<hbm>> -> memref<1x8x1x8x128xf32, #tpu.memory_space<hbm>>
      %dma_start3A_133 = tpu.memref_squeeze %dma_start3A_132 : memref<1x8x1x8x128xf32, #tpu.memory_space<hbm>> -> memref<8x8x128xf32, #tpu.memory_space<hbm>>
      %dma_start3A_134 = arith.constant 0 : i32
      %dma_start3A_135 = arith.constant 0 : i32
      %dma_start3A_136 = arith.constant 0 : i32
      %dma_start3A_137 = tpu.memref_slice %arg9[%dma_start3A_134, %dma_start3A_135, %dma_start3A_136] : memref<8x8x129xf32, #tpu.memory_space<vmem>> -> memref<8x8x128xf32, #tpu.memory_space<vmem>>
      tpu.enqueue_dma source(%dma_start3A_137 : memref<8x8x128xf32, #tpu.memory_space<vmem>>) target(%dma_start3A_133 : memref<8x8x128xf32, #tpu.memory_space<hbm>>) target_semaphore(%arg13 : memref<!tpu.dma_semaphore, #tpu.memory_space<semaphore_mem>>)
      %add3A_138 = arith.constant 1 : i32
      %add3A_139 = arith.addi %mul3A_78, %add3A_138 : i32
      %mul3A_140 = arith.constant 128 : i32
      %mul3A_141 = arith.muli %add3A_139, %mul3A_140 : i32
      %dma_wait3A_142 = tpu.memref_slice %arg6[%mul3A_141] : memref<25600xi32, #tpu.memory_space<vmem>> -> memref<128xi32, #tpu.memory_space<vmem>>
      %dma_wait3A_143 = arith.constant 0 : i32
      %dma_wait3A_144 = arith.constant 0 : i32
      %dma_wait3A_145 = tpu.memref_slice %arg2[%dma_wait3A_143, %dma_wait3A_144] : memref<1000000x64xf32, #tpu.memory_space<hbm>> -> memref<1000000x64xf32, #tpu.memory_space<hbm>>
      tpu.wait_indirect_dma semaphore(%arg12 : memref<!tpu.dma_semaphore, #tpu.memory_space<semaphore_mem>>) src(%dma_wait3A_145 : memref<1000000x64xf32, #tpu.memory_space<hbm>>) dst(%arg8 : memref<128x64xf32, #tpu.memory_space<vmem>>)
      %parallel_loop3A_146 = arith.constant 0 : i32
      %parallel_loop3A_147 = arith.constant 128 : i32
      %parallel_loop3A_148 = arith.constant 1 : i32
      scf.for %parallel_loop3A_203 = %parallel_loop3A_146 to %parallel_loop3A_147 step %parallel_loop3A_148  : i32 {
        %parallel_loop3A_204 = arith.constant 0 : i32
        %parallel_loop3A_205 = vector.broadcast %parallel_loop3A_204 : i32 to vector<16xi32>
        %parallel_loop3A_206 = arith.muli %iota3A, %parallel_loop3A_205 : vector<16xi32>
        %parallel_loop3A_207 = vector.broadcast %parallel_loop3A_203 : i32 to vector<16xi32>
        %parallel_loop3A_208 = arith.addi %parallel_loop3A_206, %parallel_loop3A_207 : vector<16xi32>
        %parallel_loop3A_209 = arith.index_cast %parallel_loop3A_203 : i32 to index
        %parallel_loop3A_210 = arith.constant 0 : index
        %parallel_loop3A_211 = tpu.vector_load %arg8[%parallel_loop3A_209, %parallel_loop3A_210] {strides = array<i32>} : memref<128x64xf32, #tpu.memory_space<vmem>>, vector<16xf32>,
        %parallel_loop3A_212 = arith.constant 8.000000e+00 : f32
        %parallel_loop3A_213 = vector.broadcast %parallel_loop3A_212 : f32 to vector<16xf32>
        %parallel_loop3A_214 = arith.mulf %parallel_loop3A_211, %parallel_loop3A_213 : vector<16xf32>
        %parallel_loop3A_215 = arith.constant 0 : i32
        %parallel_loop3A_216 = vector.broadcast %parallel_loop3A_215 : i32 to vector<16xi32>
        %parallel_loop3A_217 = arith.addi %shift_right_arithmetic3A_13, %parallel_loop3A_216 : vector<16xi32>
        tpu.vector_store_idx %arg10[%parallel_loop3A_217, %and3A_15, %parallel_loop3A_208], %parallel_loop3A_214 : memref<8x8x129xf32, #tpu.memory_space<vmem>>[vector<16xi32>, vector<16xi32>, vector<16xi32>], vector<16xf32>,
        %parallel_loop3A_218 = arith.index_cast %parallel_loop3A_203 : i32 to index
        %parallel_loop3A_219 = arith.constant 16 : index
        %parallel_loop3A_220 = tpu.vector_load %arg8[%parallel_loop3A_218, %parallel_loop3A_219] {strides = array<i32>} : memref<128x64xf32, #tpu.memory_space<vmem>>, vector<16xf32>,
        %parallel_loop3A_221 = arith.constant 8.000000e+00 : f32
        %parallel_loop3A_222 = vector.broadcast %parallel_loop3A_221 : f32 to vector<16xf32>
        %parallel_loop3A_223 = arith.mulf %parallel_loop3A_220, %parallel_loop3A_222 : vector<16xf32>
        %parallel_loop3A_224 = arith.constant 2 : i32
        %parallel_loop3A_225 = vector.broadcast %parallel_loop3A_224 : i32 to vector<16xi32>
        %parallel_loop3A_226 = arith.addi %shift_right_arithmetic3A_13, %parallel_loop3A_225 : vector<16xi32>
        tpu.vector_store_idx %arg10[%parallel_loop3A_226, %and3A_15, %parallel_loop3A_208], %parallel_loop3A_223 : memref<8x8x129xf32, #tpu.memory_space<vmem>>[vector<16xi32>, vector<16xi32>, vector<16xi32>], vector<16xf32>,
        %parallel_loop3A_227 = arith.index_cast %parallel_loop3A_203 : i32 to index
        %parallel_loop3A_228 = arith.constant 32 : index
        %parallel_loop3A_229 = tpu.vector_load %arg8[%parallel_loop3A_227, %parallel_loop3A_228] {strides = array<i32>} : memref<128x64xf32, #tpu.memory_space<vmem>>, vector<16xf32>,
        %parallel_loop3A_230 = arith.constant 8.000000e+00 : f32
        %parallel_loop3A_231 = vector.broadcast %parallel_loop3A_230 : f32 to vector<16xf32>
        %parallel_loop3A_232 = arith.mulf %parallel_loop3A_229, %parallel_loop3A_231 : vector<16xf32>
        %parallel_loop3A_233 = arith.constant 4 : i32
        %parallel_loop3A_234 = vector.broadcast %parallel_loop3A_233 : i32 to vector<16xi32>
        %parallel_loop3A_235 = arith.addi %shift_right_arithmetic3A_13, %parallel_loop3A_234 : vector<16xi32>
        tpu.vector_store_idx %arg10[%parallel_loop3A_235, %and3A_15, %parallel_loop3A_208], %parallel_loop3A_232 : memref<8x8x129xf32, #tpu.memory_space<vmem>>[vector<16xi32>, vector<16xi32>, vector<16xi32>], vector<16xf32>,
        %parallel_loop3A_236 = arith.index_cast %parallel_loop3A_203 : i32 to index
        %parallel_loop3A_237 = arith.constant 48 : index
        %parallel_loop3A_238 = tpu.vector_load %arg8[%parallel_loop3A_236, %parallel_loop3A_237] {strides = array<i32>} : memref<128x64xf32, #tpu.memory_space<vmem>>, vector<16xf32>,
        %parallel_loop3A_239 = arith.constant 8.000000e+00 : f32
        %parallel_loop3A_240 = vector.broadcast %parallel_loop3A_239 : f32 to vector<16xf32>
        %parallel_loop3A_241 = arith.mulf %parallel_loop3A_238, %parallel_loop3A_240 : vector<16xf32>
        %parallel_loop3A_242 = arith.constant 6 : i32
        %parallel_loop3A_243 = vector.broadcast %parallel_loop3A_242 : i32 to vector<16xi32>
        %parallel_loop3A_244 = arith.addi %shift_right_arithmetic3A_13, %parallel_loop3A_243 : vector<16xi32>
        tpu.vector_store_idx %arg10[%parallel_loop3A_244, %and3A_15, %parallel_loop3A_208], %parallel_loop3A_241 : memref<8x8x129xf32, #tpu.memory_space<vmem>>[vector<16xi32>, vector<16xi32>, vector<16xi32>], vector<16xf32>,
      } {sc.loop_unroll_factor = 8 : i64, sc.parallel_access}
      %add3A_149 = arith.constant 1 : i32
      %add3A_150 = arith.addi %mul3A_78, %add3A_149 : i32
      %jit3A_151 = arith.constant 4 : i32
      %div3A_152 = arith.divsi %add3A_150, %jit3A_151 : i32
      %sign3A_153 = arith.constant 0 : i32
      %sign3A_154 = arith.cmpi sgt, %add3A_150, %sign3A_153 : i32
      %sign3A_155 = arith.extui %sign3A_154 : i1 to i32
      %sign3A_156 = arith.constant 0 : i32
      %sign3A_157 = arith.cmpi slt, %add3A_150, %sign3A_156 : i32
      %sign3A_158 = arith.extui %sign3A_157 : i1 to i32
      %sign3A_159 = arith.subi %sign3A_155, %sign3A_158 : i32
      %sign3A_160 = arith.constant 0 : i32
      %sign3A_161 = arith.cmpi sgt, %jit3A_151, %sign3A_160 : i32
      %sign3A_162 = arith.extui %sign3A_161 : i1 to i32
      %sign3A_163 = arith.constant 0 : i32
      %sign3A_164 = arith.cmpi slt, %jit3A_151, %sign3A_163 : i32
      %sign3A_165 = arith.extui %sign3A_164 : i1 to i32
      %sign3A_166 = arith.subi %sign3A_162, %sign3A_165 : i32
      %ne3A_167 = arith.cmpi ne, %sign3A_159, %sign3A_166 : i32
      %rem3A_168 = arith.remsi %add3A_150, %jit3A_151 : i32
      %ne3A_169 = arith.constant 0 : i32
      %ne3A_170 = arith.cmpi ne, %rem3A_168, %ne3A_169 : i32
      %and3A_171 = arith.andi %ne3A_167, %ne3A_170 : i1
      %sub3A_172 = arith.constant 1 : i32
      %sub3A_173 = arith.subi %div3A_152, %sub3A_172 : i32
      %select_n3A_174 = arith.select %and3A_171, %sub3A_173, %div3A_152 : i32
      %mul3A_175 = arith.constant 4 : i32
      %mul3A_176 = arith.muli %add3A, %mul3A_175 : i32
      %rem3A_177 = arith.constant 4 : i32
      %rem3A_178 = arith.remsi %add3A_150, %rem3A_177 : i32
      %add3A_179 = arith.addi %mul3A_176, %rem3A_178 : i32
      %dma_start3A_180 = arith.constant 0 : i32
      %dma_start3A_181 = arith.constant 0 : i32
      %dma_start3A_182 = arith.constant 0 : i32
      %dma_start3A_183 = tpu.memref_slice %arg10[%dma_start3A_180, %dma_start3A_181, %dma_start3A_182] : memref<8x8x129xf32, #tpu.memory_space<vmem>> -> memref<8x8x128xf32, #tpu.memory_space<vmem>>
      %dma_start3A_184 = arith.constant 0 : i32
      %dma_start3A_185 = arith.constant 0 : i32
      %dma_start3A_186 = arith.constant 0 : i32
      %dma_start3A_187 = tpu.memref_slice %arg4[%select_n3A_174, %dma_start3A_184, %add3A_179, %dma_start3A_185, %dma_start3A_186] : memref<50x8x128x8x128xf32, #tpu.memory_space<hbm>> -> memref<1x8x1x8x128xf32, #tpu.memory_space<hbm>>
      %dma_start3A_188 = tpu.memref_squeeze %dma_start3A_187 : memref<1x8x1x8x128xf32, #tpu.memory_space<hbm>> -> memref<8x8x128xf32, #tpu.memory_space<hbm>>
      %dma_start3A_189 = arith.constant 0 : i32
      %dma_start3A_190 = arith.constant 0 : i32
      %dma_start3A_191 = arith.constant 0 : i32
      %dma_start3A_192 = tpu.memref_slice %arg4[%select_n3A_174, %dma_start3A_189, %add3A_179, %dma_start3A_190, %dma_start3A_191] : memref<50x8x128x8x128xf32, #tpu.memory_space<hbm>> -> memref<1x8x1x8x128xf32, #tpu.memory_space<hbm>>
      %dma_start3A_193 = tpu.memref_squeeze %dma_start3A_192 : memref<1x8x1x8x128xf32, #tpu.memory_space<hbm>> -> memref<8x8x128xf32, #tpu.memory_space<hbm>>
      %dma_start3A_194 = arith.constant 0 : i32
      %dma_start3A_195 = arith.constant 0 : i32
      %dma_start3A_196 = arith.constant 0 : i32
      %dma_start3A_197 = tpu.memref_slice %arg10[%dma_start3A_194, %dma_start3A_195, %dma_start3A_196] : memref<8x8x129xf32, #tpu.memory_space<vmem>> -> memref<8x8x128xf32, #tpu.memory_space<vmem>>
      tpu.enqueue_dma source(%dma_start3A_197 : memref<8x8x128xf32, #tpu.memory_space<vmem>>) target(%dma_start3A_193 : memref<8x8x128xf32, #tpu.memory_space<hbm>>) target_semaphore(%arg14 : memref<!tpu.dma_semaphore, #tpu.memory_space<semaphore_mem>>)
      %lt3A = arith.constant 99 : i32
      %lt3A_198 = arith.cmpi slt, %scan3A_75, %lt3A : i32
      %convert_element_type3A_199 = arith.extui %lt3A_198 : i1 to i32
      %cond3A_200 = arith.constant 0 : i32
      %cond3A_201 = arith.cmpi ne, %convert_element_type3A_199, %cond3A_200 : i32
      scf.if %cond3A_201 {
        %jit3A_203 = arith.constant 4 : i32
        %div3A_204 = arith.divsi %mul3A_78, %jit3A_203 : i32
        %sign3A_205 = arith.constant 0 : i32
        %sign3A_206 = arith.cmpi sgt, %mul3A_78, %sign3A_205 : i32
        %sign3A_207 = arith.extui %sign3A_206 : i1 to i32
        %sign3A_208 = arith.constant 0 : i32
        %sign3A_209 = arith.cmpi slt, %mul3A_78, %sign3A_208 : i32
        %sign3A_210 = arith.extui %sign3A_209 : i1 to i32
        %sign3A_211 = arith.subi %sign3A_207, %sign3A_210 : i32
        %sign3A_212 = arith.constant 0 : i32
        %sign3A_213 = arith.cmpi sgt, %jit3A_203, %sign3A_212 : i32
        %sign3A_214 = arith.extui %sign3A_213 : i1 to i32
        %sign3A_215 = arith.constant 0 : i32
        %sign3A_216 = arith.cmpi slt, %jit3A_203, %sign3A_215 : i32
        %sign3A_217 = arith.extui %sign3A_216 : i1 to i32
        %sign3A_218 = arith.subi %sign3A_214, %sign3A_217 : i32
        %ne3A_219 = arith.cmpi ne, %sign3A_211, %sign3A_218 : i32
        %rem3A_220 = arith.remsi %mul3A_78, %jit3A_203 : i32
        %ne3A_221 = arith.constant 0 : i32
        %ne3A_222 = arith.cmpi ne, %rem3A_220, %ne3A_221 : i32
        %and3A_223 = arith.andi %ne3A_219, %ne3A_222 : i1
        %sub3A_224 = arith.constant 1 : i32
        %sub3A_225 = arith.subi %div3A_204, %sub3A_224 : i32
        %select_n3A_226 = arith.select %and3A_223, %sub3A_225, %div3A_204 : i32
        %mul3A_227 = arith.constant 4 : i32
        %mul3A_228 = arith.muli %add3A, %mul3A_227 : i32
        %rem3A_229 = arith.constant 4 : i32
        %rem3A_230 = arith.remsi %mul3A_78, %rem3A_229 : i32
        %add3A_231 = arith.addi %mul3A_228, %rem3A_230 : i32
        %dma_wait3A_232 = arith.constant 0 : i32
        %dma_wait3A_233 = arith.constant 0 : i32
        %dma_wait3A_234 = arith.constant 0 : i32
        %dma_wait3A_235 = tpu.memref_slice %arg9[%dma_wait3A_232, %dma_wait3A_233, %dma_wait3A_234] : memref<8x8x129xf32, #tpu.memory_space<vmem>> -> memref<8x8x128xf32, #tpu.memory_space<vmem>>
        %dma_wait3A_236 = arith.constant 0 : i32
        %dma_wait3A_237 = arith.constant 0 : i32
        %dma_wait3A_238 = arith.constant 0 : i32
        %dma_wait3A_239 = tpu.memref_slice %arg4[%select_n3A_226, %dma_wait3A_236, %add3A_231, %dma_wait3A_237, %dma_wait3A_238] : memref<50x8x128x8x128xf32, #tpu.memory_space<hbm>> -> memref<1x8x1x8x128xf32, #tpu.memory_space<hbm>>
        %dma_wait3A_240 = tpu.memref_squeeze %dma_wait3A_239 : memref<1x8x1x8x128xf32, #tpu.memory_space<hbm>> -> memref<8x8x128xf32, #tpu.memory_space<hbm>>
        %dma_wait3A_241 = arith.constant 0 : i32
        %dma_wait3A_242 = arith.constant 0 : i32
        %dma_wait3A_243 = arith.constant 0 : i32
        %dma_wait3A_244 = tpu.memref_slice %arg4[%select_n3A_226, %dma_wait3A_241, %add3A_231, %dma_wait3A_242, %dma_wait3A_243] : memref<50x8x128x8x128xf32, #tpu.memory_space<hbm>> -> memref<1x8x1x8x128xf32, #tpu.memory_space<hbm>>
        %dma_wait3A_245 = tpu.memref_squeeze %dma_wait3A_244 : memref<1x8x1x8x128xf32, #tpu.memory_space<hbm>> -> memref<8x8x128xf32, #tpu.memory_space<hbm>>
        %dma_wait3A_246 = arith.constant 0 : i32
        %dma_wait3A_247 = arith.constant 0 : i32
        %dma_wait3A_248 = arith.constant 0 : i32
        %dma_wait3A_249 = tpu.memref_slice %arg9[%dma_wait3A_246, %dma_wait3A_247, %dma_wait3A_248] : memref<8x8x129xf32, #tpu.memory_space<vmem>> -> memref<8x8x128xf32, #tpu.memory_space<vmem>>
        tpu.wait_dma2 semaphore(%arg13 : memref<!tpu.dma_semaphore, #tpu.memory_space<semaphore_mem>>) src(%dma_wait3A_249 : memref<8x8x128xf32, #tpu.memory_space<vmem>>) dst(%dma_wait3A_245 : memref<8x8x128xf32, #tpu.memory_space<hbm>>)
        %add3A_250 = arith.constant 2 : i32
        %add3A_251 = arith.addi %mul3A_78, %add3A_250 : i32
        %mul3A_252 = arith.constant 128 : i32
        %mul3A_253 = arith.muli %add3A_251, %mul3A_252 : i32
        %dma_start3A_254 = tpu.memref_slice %arg6[%mul3A_253] : memref<25600xi32, #tpu.memory_space<vmem>> -> memref<128xi32, #tpu.memory_space<vmem>>
        %dma_start3A_255 = arith.constant 0 : i32
        %dma_start3A_256 = arith.constant 0 : i32
        %dma_start3A_257 = tpu.memref_slice %arg2[%dma_start3A_255, %dma_start3A_256] : memref<1000000x64xf32, #tpu.memory_space<hbm>> -> memref<1000000x64xf32, #tpu.memory_space<hbm>>
        tpu.enqueue_indirect_dma source(%dma_start3A_257 : memref<1000000x64xf32, #tpu.memory_space<hbm>>) target(%arg7 : memref<128x64xf32, #tpu.memory_space<vmem>>) offsets(%dma_start3A_254 : memref<128xi32, #tpu.memory_space<vmem>>) semaphore(%arg11 : memref<!tpu.dma_semaphore, #tpu.memory_space<semaphore_mem>>)
      } else {
      }
      %scan3A_202 = arith.constant 0 : i32
      scf.yield %scan3A_202 : i32
    }
    %scan3A_26 = arith.constant 100 : i32
    %mul3A_27 = arith.constant 4 : i32
    %mul3A_28 = arith.muli %add3A, %mul3A_27 : i32
    %rem3A = arith.constant 198 : i32
    %rem3A_29 = arith.constant 4 : i32
    %rem3A_30 = arith.remsi %rem3A, %rem3A_29 : i32
    %add3A_31 = arith.addi %mul3A_28, %rem3A_30 : i32
    %dma_wait3A = arith.constant 49 : i32
    %dma_wait3A_32 = arith.constant 0 : i32
    %dma_wait3A_33 = arith.constant 0 : i32
    %dma_wait3A_34 = arith.constant 0 : i32
    %dma_wait3A_35 = tpu.memref_slice %arg9[%dma_wait3A_32, %dma_wait3A_33, %dma_wait3A_34] : memref<8x8x129xf32, #tpu.memory_space<vmem>> -> memref<8x8x128xf32, #tpu.memory_space<vmem>>
    %dma_wait3A_36 = arith.constant 0 : i32
    %dma_wait3A_37 = arith.constant 0 : i32
    %dma_wait3A_38 = arith.constant 0 : i32
    %dma_wait3A_39 = tpu.memref_slice %arg4[%dma_wait3A, %dma_wait3A_36, %add3A_31, %dma_wait3A_37, %dma_wait3A_38] : memref<50x8x128x8x128xf32, #tpu.memory_space<hbm>> -> memref<1x8x1x8x128xf32, #tpu.memory_space<hbm>>
    %dma_wait3A_40 = tpu.memref_squeeze %dma_wait3A_39 : memref<1x8x1x8x128xf32, #tpu.memory_space<hbm>> -> memref<8x8x128xf32, #tpu.memory_space<hbm>>
    %dma_wait3A_41 = arith.constant 0 : i32
    %dma_wait3A_42 = arith.constant 0 : i32
    %dma_wait3A_43 = arith.constant 0 : i32
    %dma_wait3A_44 = tpu.memref_slice %arg4[%dma_wait3A, %dma_wait3A_41, %add3A_31, %dma_wait3A_42, %dma_wait3A_43] : memref<50x8x128x8x128xf32, #tpu.memory_space<hbm>> -> memref<1x8x1x8x128xf32, #tpu.memory_space<hbm>>
    %dma_wait3A_45 = tpu.memref_squeeze %dma_wait3A_44 : memref<1x8x1x8x128xf32, #tpu.memory_space<hbm>> -> memref<8x8x128xf32, #tpu.memory_space<hbm>>
    %dma_wait3A_46 = arith.constant 0 : i32
    %dma_wait3A_47 = arith.constant 0 : i32
    %dma_wait3A_48 = arith.constant 0 : i32
    %dma_wait3A_49 = tpu.memref_slice %arg9[%dma_wait3A_46, %dma_wait3A_47, %dma_wait3A_48] : memref<8x8x129xf32, #tpu.memory_space<vmem>> -> memref<8x8x128xf32, #tpu.memory_space<vmem>>
    tpu.wait_dma2 semaphore(%arg13 : memref<!tpu.dma_semaphore, #tpu.memory_space<semaphore_mem>>) src(%dma_wait3A_49 : memref<8x8x128xf32, #tpu.memory_space<vmem>>) dst(%dma_wait3A_45 : memref<8x8x128xf32, #tpu.memory_space<hbm>>)
    %mul3A_50 = arith.constant 4 : i32
    %mul3A_51 = arith.muli %add3A, %mul3A_50 : i32
    %rem3A_52 = arith.constant 199 : i32
    %rem3A_53 = arith.constant 4 : i32
    %rem3A_54 = arith.remsi %rem3A_52, %rem3A_53 : i32
    %add3A_55 = arith.addi %mul3A_51, %rem3A_54 : i32
    %dma_wait3A_56 = arith.constant 49 : i32
    %dma_wait3A_57 = arith.constant 0 : i32
    %dma_wait3A_58 = arith.constant 0 : i32
    %dma_wait3A_59 = arith.constant 0 : i32
    %dma_wait3A_60 = tpu.memref_slice %arg10[%dma_wait3A_57, %dma_wait3A_58, %dma_wait3A_59] : memref<8x8x129xf32, #tpu.memory_space<vmem>> -> memref<8x8x128xf32, #tpu.memory_space<vmem>>
    %dma_wait3A_61 = arith.constant 0 : i32
    %dma_wait3A_62 = arith.constant 0 : i32
    %dma_wait3A_63 = arith.constant 0 : i32
    %dma_wait3A_64 = tpu.memref_slice %arg4[%dma_wait3A_56, %dma_wait3A_61, %add3A_55, %dma_wait3A_62, %dma_wait3A_63] : memref<50x8x128x8x128xf32, #tpu.memory_space<hbm>> -> memref<1x8x1x8x128xf32, #tpu.memory_space<hbm>>
    %dma_wait3A_65 = tpu.memref_squeeze %dma_wait3A_64 : memref<1x8x1x8x128xf32, #tpu.memory_space<hbm>> -> memref<8x8x128xf32, #tpu.memory_space<hbm>>
    %dma_wait3A_66 = arith.constant 0 : i32
    %dma_wait3A_67 = arith.constant 0 : i32
    %dma_wait3A_68 = arith.constant 0 : i32
    %dma_wait3A_69 = tpu.memref_slice %arg4[%dma_wait3A_56, %dma_wait3A_66, %add3A_55, %dma_wait3A_67, %dma_wait3A_68] : memref<50x8x128x8x128xf32, #tpu.memory_space<hbm>> -> memref<1x8x1x8x128xf32, #tpu.memory_space<hbm>>
    %dma_wait3A_70 = tpu.memref_squeeze %dma_wait3A_69 : memref<1x8x1x8x128xf32, #tpu.memory_space<hbm>> -> memref<8x8x128xf32, #tpu.memory_space<hbm>>
    %dma_wait3A_71 = arith.constant 0 : i32
    %dma_wait3A_72 = arith.constant 0 : i32
    %dma_wait3A_73 = arith.constant 0 : i32
    %dma_wait3A_74 = tpu.memref_slice %arg10[%dma_wait3A_71, %dma_wait3A_72, %dma_wait3A_73] : memref<8x8x129xf32, #tpu.memory_space<vmem>> -> memref<8x8x128xf32, #tpu.memory_space<vmem>>
    tpu.wait_dma2 semaphore(%arg14 : memref<!tpu.dma_semaphore, #tpu.memory_space<semaphore_mem>>) src(%dma_wait3A_74 : memref<8x8x128xf32, #tpu.memory_space<vmem>>) dst(%dma_wait3A_70 : memref<8x8x128xf32, #tpu.memory_space<hbm>>)
    return
  }
}

</mosaic_0001>

<sc_bundles>
// kernel: _emb_lookup.3.cloned.1.call-start
scs
__scs_entry_jumppad:
0x0: {  	(pc) =	sbr.rel $0x88, $3  }
0x1: {  	(tag) =	ssettag $0x0;
	lr =	simm.s32 $0x1  }
0x2: {  	[smem:$0x3F9F] =	sst lr;
	_ =	strace $0xD0000000  }
0x3: {  	_ = 	snop  }
0x4: {  	_ = 	snop  }
0x5: {  	_ = 	snop  }
0x6: {  	_ = 	snop  }
0x7: {  	_ = 	snop  }
__scs_overlays_trampoline_lowered:
0x8: {  	[smem:$0x3FAE] =	sst s0  }
0x9: {  	[smem:$0x3FAF] =	sst s1  }
0xa: {  	[smem:$0x3FB0] =	sst s2  }
0xb: {  	[smem:$0x3FB1] =	sst s3  }
0xc: {  	[smem:$0x3FB2] =	sst s4  }
0xd: {  	[smem:$0x3FB3] =	sst s5  }
0xe: {  	[smem:$0x3FB4] =	sst s6  }
0xf: {  	[smem:$0x3FB5] =	sst s7  }
0x10: {  	[smem:$0x3FB6] =	sst s8  }
0x11: {  	[smem:$0x3FB7] =	sst s9;
	s0 =	simm.s32 @!p0 $0x0  }
0x12: {  	s1 =	sld [smem:$0x3F9D];
	s0 =	simm.s32 @p0 $0x1  }
0x13: {  	[smem:$0x3FB8] =	sst s0;
	s0 =	simm.s32 @!p1 $0x0  }
0x14: {  	s2 =	sld [smem:$0x3F9C];
	s0 =	simm.s32 @p1 $0x1  }
0x15: {  	[smem:$0x3FB9] =	sst s0;
	s0 =	simm.s32 @!p2 $0x0  }
0x16: {  	s3 =	sld [smem:$0x3FDB];
	s0 =	simm.s32 @p2 $0x1  }
0x17: {  	s4 =	simm.s32 $0x1BF5;
	[smem:$0x3FBB] =	sst s0  }
0x18: {  	s0 =	sld [smem:$0x3F9E];
	_ =	swait.ge [sflag:s4], $0x0  }
0x19: {  	s7 =	sld [smem:$0x3F9F]  }
0x1a: {  	s8 =	sadd.s32 $0xFFFFE003, lr  }
0x1b: {  	s9 =	sadd.s32 $0xFFFFFEF7, lr;
	s5 =	simm.s32 $0xFFFFFFFF;
	p2 =	slt.u32 s8, $0xFFFFF086  }
0x1c: {  	p1 =	slt.u32 s9, $0xF7A;
	s5 =	simm.s32 @!p2 $0x0  }
0x1d: {  	s5 =	simm.s32 @p1 $0x1;
	p0 =	seq.s32 s7, s2  }
0x1e: {  	s7 =	smul.u32 @!p0 $0xF7A, s2;
	p2 =	seq.s32 @!p0 s5, $0x0  }
0x1f: {  	s9 =	smul.u32 $0xF7A, s1;
	s8 =	simm.s32 @!p0 $0x1BF5;
	p2 =	por !p2, p0  }
0x20: {  	[sflag:s8] =	ssyncset.s32 @!p0 $0xFFFFF086;
	s6 =	sadd.s32 @!p0 s3, s7;
	s7 =	simm.s32 @!p0 $0x108  }
0x21: {  	s3 =	sadd.s32 s3, s9;
	s6 =	sadd.s32 @!p0 $0x88, s6;
	s7 =	simm.s32 @p2 $0x1082  }
0x22: {  	[simem:s7], [sflag:s8] =	dma.local @!p0 [hbm:s6], $0xF7A  }
0x23: {  	s9 =	sor.u32 $0xD0000000, s2;
	s6 =	simm.s32 $0x108;
	_ =	swait.ge @!p0 [sflag:s8], $0x0  }
0x24: {  	s3 =	sadd.s32 $0x88, s3;
	s6 =	simm.s32 @!p1 $0x1082;
	[sflag:s4] =	ssyncset.s32 $0xFFFFF086  }
0x25: {  	[simem:s6], [sflag:s4] =	dma.local [hbm:s3], $0xF7A  }
0x26: {  	[smem:$0x3F9F] =	sst s1;
	(tag) =	ssettag s2;
	_ =	strace s9  }
0x27: {  	s1 =	sld [smem:$0x3FAF]  }
0x28: {  	s2 =	sld [smem:$0x3FB0]  }
0x29: {  	s4 =	sld [smem:$0x3FB2]  }
0x2a: {  	p0 =	seq.s32 s5, $0x0;
	s5 =	sld [smem:$0x3FB3]  }
0x2b: {  	s6 =	sld [smem:$0x3FB4]  }
0x2c: {  	s7 =	sld [smem:$0x3FB5]  }
0x2d: {  	s3 =	simm.s32 $0x108;
	s8 =	sld [smem:$0x3FB6]  }
0x2e: {  	s3 =	simm.s32 @!p0 $0x1082;
	s9 =	sld [smem:$0x3FB7]  }
0x2f: {  	lr =	sadd.s32 s0, s3;
	s0 =	sld [smem:$0x3FAE]  }
0x30: {  	s3 =	sld [smem:$0x3FB1]  }
0x31: {  	[smem:$0x3FBA] =	sst s10  }
0x32: {  	s10 =	sld [smem:$0x3FB8];
	_ =	sdelay $0x3  }
0x33: {  	p0 =	seq.s32 s10, $0x1;
	s10 =	sld [smem:$0x3FBA];
	_ =	sdelay $0x3  }
0x34: {  	[smem:$0x3FBA] =	sst s10  }
0x35: {  	s10 =	sld [smem:$0x3FB9];
	_ =	sdelay $0x3  }
0x36: {  	p1 =	seq.s32 s10, $0x1;
	s10 =	sld [smem:$0x3FBA];
	_ =	sdelay $0x3  }
0x37: {  	[smem:$0x3FBA] =	sst s10  }
0x38: {  	s10 =	sld [smem:$0x3FBB]  }
0x39: {  	_ = 	snop;
	(pc) =	sbr.ind lr, $3  }
0x3a: {  	_ = 	snop  }
0x3b: {  	_ = 	snop  }
0x3c: {  	p2 =	seq.s32 s10, $0x1;
	s10 =	sld [smem:$0x3FBA]  }
0x3d: {  	_ =	shalt  }
0x3e: {  	_ =	shalt  }
0x3f: {  	_ =	shalt  }
0x40: {  	_ =	shalt  }
0x41: {  	_ =	shalt  }
0x42: {  	_ =	shalt  }
0x43: {  	_ =	shalt  }
0x44: {  	_ =	shalt  }
0x45: {  	_ =	shalt  }
0x46: {  	_ =	shalt  }
0x47: {  	_ =	shalt  }
0x48: {  	_ =	shalt  }
0x49: {  	_ =	shalt  }
0x4a: {  	_ =	shalt  }
0x4b: {  	_ =	shalt  }
0x4c: {  	_ =	shalt  }
0x4d: {  	_ =	shalt  }
0x4e: {  	_ =	shalt  }
0x4f: {  	_ =	shalt  }
0x50: {  	_ =	shalt  }
0x51: {  	_ =	shalt  }
0x52: {  	_ =	shalt  }
0x53: {  	_ =	shalt  }
0x54: {  	_ =	shalt  }
0x55: {  	_ =	shalt  }
0x56: {  	_ =	shalt  }
0x57: {  	_ =	shalt  }
0x58: {  	_ =	shalt  }
0x59: {  	_ =	shalt  }
0x5a: {  	_ =	shalt  }
0x5b: {  	_ =	shalt  }
0x5c: {  	_ =	shalt  }
0x5d: {  	_ =	shalt  }
0x5e: {  	_ =	shalt  }
0x5f: {  	_ =	shalt  }
0x60: {  	_ =	shalt  }
0x61: {  	_ =	shalt  }
0x62: {  	_ =	shalt  }
0x63: {  	_ =	shalt  }
0x64: {  	_ =	shalt  }
0x65: {  	_ =	shalt  }
0x66: {  	_ =	shalt  }
0x67: {  	_ =	shalt  }
0x68: {  	_ =	shalt  }
0x69: {  	_ =	shalt  }
0x6a: {  	_ =	shalt  }
0x6b: {  	_ =	shalt  }
0x6c: {  	_ =	shalt  }
0x6d: {  	_ =	shalt  }
0x6e: {  	_ =	shalt  }
0x6f: {  	_ =	shalt  }
0x70: {  	_ =	shalt  }
0x71: {  	_ =	shalt  }
0x72: {  	_ =	shalt  }
0x73: {  	_ =	shalt  }
0x74: {  	_ =	shalt  }
0x75: {  	_ =	shalt  }
0x76: {  	_ =	shalt  }
0x77: {  	_ =	shalt  }
0x78: {  	_ =	shalt  }
0x79: {  	_ =	shalt  }
0x7a: {  	_ =	shalt  }
0x7b: {  	_ =	shalt  }
0x7c: {  	_ =	shalt  }
0x7d: {  	_ =	shalt  }
0x7e: {  	_ =	shalt  }
0x7f: {  	_ =	shalt  }
0x80: {  	_ =	shalt  }
0x81: {  	_ =	shalt  }
0x82: {  	_ =	shalt  }
0x83: {  	_ =	shalt  }
0x84: {  	_ =	shalt  }
0x85: {  	_ =	shalt  }
0x86: {  	_ =	shalt  }
0x87: {  	_ =	shalt  }
.Lfunc_end0:
.L_simem_size_0:
called_computation_lowered:
.L_overlay_start_0:
0x88: {  	s2 =	sld [smem:$0x3FD9]  }
0x89: {  	s3 =	sld [smem:$0x3FFE];
	_ =	sdelay $0x1  }
0x8a: {  	s1 =	srdreg.scid  }
0x8b: {  	s0 =	sand.u32 $0x1, s1  }
0x8c: {  	s17 =	sshll.u32 s0, $0xA;
	s2 =	sadd.s32 s3, s2  }
0x8d: {  	s2 =	sadd.s32 s2, s17  }
0x8e: {  	[smem:$0x3FC6] =	sst s2  }
0x8f: {  	_ = 	snop  }
0x90: {  	s2 =	sld [smem:$0x3FC9]  }
0x91: {  	s18 =	sld [smem:$0x3FD0];
	(tm) =	ssettm $0x1  }
0x92: {  	s4 =	sld [smem:$0x3FFB];
	_ =	sdelay $0x3  }
0x93: {  	_ =	strace s4  }
0x94: {  	s4 =	sld [smem:$0x3FFC];
	_ =	sdelay $0x3  }
0x95: {  	_ =	strace s4  }
0x96: {  	s4 =	sld [smem:$0x3FFD];
	_ =	sdelay $0x3  }
0x97: {  	_ =	strace s4  }
0x98: {  	_ =	strace $0x8FFFFFFF  }
0x99: {  	s19 =	sld [smem:$0x3FDB];
	_ =	sdelay $0x1  }
0x9a: {  	s5 =	simm.s32 $_scs_section_size  }
0x9b: {  	s6 =	simm.s32 $_size__tile_overlayer_lowered;
	s7 =	simm.s32 $_tile_overlayer_lowered  }
0x9c: {  	s22 =	simm.s32 $0x1BFF;
	s21 =	sshll.u32 s7, $0x1;
	s4 =	sadd.s32 s5, s19  }
0x9d: {  	s8 =	simm.s32 $0x0;
	s20 =	sshll.u32 s6, $0x1;
	s6 =	sadd.s32 s21, s4  }
0x9e: {  	[timem:s8], [sflag:s22] =	dma.local [hbm:s6], s20  }
0x9f: {  	_ =	swait.ge [sflag:s22], s20  }
0xa0: {  	s5 =	ssub.s32 $0x0, s20;
	[sflag:s22] =	ssyncset.done $0x0  }
0xa1: {  	[sflag:s22] =	ssyncadd.s32 s5;
	_ =	sdelay $0x1  }
0xa2: {  	s23 =	simm.s32 $0x1B8B  }
0xa3: {  	_ =	swait.ge [sflag:s23], $0x1  }
0xa4: {  	[sflag:s23] =	ssyncset.done $0x0  }
0xa5: {  	s25 =	simm.s32 $0x1B8E;
	s24 =	sld [smem:$0x3FFE];
	[sflag:s23] =	ssyncadd.s32 $0xFFFFFFFF  }
0xa6: {  	s26 =	simm.s32 $execute0_lowered;
	[smem:$0x3FD2] =	sst s25  }
0xa7: {  	s6 =	sshll.u32 s26, $0x1;
	_ =	strace $0x80000046;
	[dreg:$0x1] =	wrdreg $0xFFFFFFFF  }
0xa8: {  	s28 =	simm.s32 $_size_execute0_lowered;
	s4 =	sadd.s32 s4, s6;
	[dreg:$0x0] =	wrdreg $0x0  }
0xa9: {  	s6 =	sshll.u32 s28, $0x1;
	[dreg:$0x2] =	wrdreg s4  }
0xaa: {  	[dreg:$0x3] =	wrdreg s6  }
0xab: {  	[dreg:$0x4] =	wrdreg $0xC0  }
0xac: {  	_ =	task [dreg:s8], $0x5FFFF  }
0xad: {  	[dreg:$0x1] =	wrdreg $0xFFFFFFFF  }
0xae: {  	[dreg:$0x0] =	wrdreg $0x60  }
0xaf: {  	[dreg:$0x2] =	wrdreg s24  }
0xb0: {  	[dreg:$0x3] =	wrdreg s2  }
0xb1: {  	[dreg:$0x4] =	wrdreg s18  }
0xb2: {  	[dreg:$0x5] =	wrdreg $0x9  }
0xb3: {  	_ =	task.clear_ibuf [dreg:s8], $0x6FFFF;
	_ =	strace $0x90000046  }
0xb4: {  	s29 =	simm.s32 $0x9;
	_ =	strace $0x80000048  }
0xb5: {  	_ =	swait.ge [sflag:s29], $0x1  }
0xb6: {  	[sflag:s29] =	ssyncadd.s32 $0xFFFFFFFF  }
0xb7: {  	_ =	strace $0x90000048  }
0xb8: {  	_ =	sfence  }
0xb9: {  	s30 =	sld [smem:$0x0];
	_ =	sdelay $0x2  }
0xba: {  	s31 =	sshll.u32 s1, $0xD;
	s1 =	sshrl.u32 s1, $0x2  }
0xbb: {  	s3 =	sand.u32 $0x4000, s31;
	s1 =	sadd.s32 s1, s30  }
0xbc: {  	s0 =	sor.u32 s3, s0;
	s1 =	sshll.u32 s1, $0x11  }
0xbd: {  	s0 =	sor.u32 s1, s0  }
0xbe: {  	s0 =	sadd.s32 $0x8F2B, s0  }
0xbf: {  	[sflag:s0] =	ssyncadd.remote.s32 $0x1  }
0xc0: {  	_ =	sfence.sel $0xFFFF  }
0xc1: {  	[dreg:$0x0] =	wrdreg $0xFFFFFFFF;
	(pc) =	sbr.abs _section_cstart, $3  }
0xc2: {  	[dreg:$0x1] =	wrdreg $0xFFFFFFFF  }
0xc3: {  	_ =	task.clear_ibuf [dreg:s8], $0x2FFFF;
	_ =	strace $0x9FFFFFFF  }
0xc4: {  	(tm) =	ssettm $0x7FFFFFFF  }
0xc5: {  	_ =	shalt  }
tec
execute0_lowered:
.L_overlay_start_1:
0x0: {  	(tag) =	ssettag $0x1  }
0x1: {  	s4 =	rddreg [dreg:$0x0]  }
0x2: {  	v1 =	vlaneseq.u32;
	s5 =	rddreg [dreg:$0x1];
	s3 =	srdreg.scid  }
0x3: {  	s0 =	rddreg [dreg:$0x2];
	v9 =	vmul.u32 $0x88, v1;
	v0 =	vmul.u32 $0x32, v1;
	s6 =	sand.u32 $0x1, s3;
	s3 =	simm.s32 $0x0  }
0x4: {  	[smem:$0x7FF] =	sst s3  }
0x5: {  	s2 =	rddreg [dreg:$0x3];
	v15 =	vadd.s32 $0x1102, v9;
	_ =	strace $0x80000047;
	[tilespmem:$0x1FF10] =	vst v0  }
0x6: {  	v16 =	vadd.s32 $0x1982, v9;
	[tilespmem:$0x1FF20] =	vst v15  }
0x7: {  	v19 =	vadd.s32 $0x1103, v9;
	[tilespmem:$0x1FF30] =	vst v16  }
0x8: {  	v20 =	vadd.s32 $0x1983, v9;
	[tilespmem:$0x1FF40] =	vst v19  }
0x9: {  	v23 =	vadd.s32 $0x1104, v9;
	[tilespmem:$0x1FF50] =	vst v20  }
0xa: {  	v2 =	vimm.s32 $0x0;
	vm0 =	vcmask $0x300;
	v24 =	vadd.s32 $0x1984, v9;
	[tilespmem:$0x1FF60] =	vst v23  }
0xb: {  	v2 =	vsel vm0, $0x3, v2;
	v27 =	vadd.s32 $0x1105, v9;
	[tilespmem:$0x1FF70] =	vst v24  }
0xc: {  	s1 =	stileid.u32;
	s10 =	simm.s32 $0x6400;
	s11 =	simm.s32 $0xC800;
	v6 =	vadd.s32 $0x880, v9;
	v7 =	vadd.s32 $0x1100, v9;
	v28 =	vadd.s32 $0x1985, v9;
	[tilespmem:$0x1FF80] =	vst v27  }
0xd: {  	s12 =	simm.s32 $0xE800;
	s13 =	simm.s32 $0x1;
	s14 =	simm.s32 $0x10800;
	v59 =	vadd.s32 $0x1980, v9;
	v4 =	vor.u32 $0x1, v9;
	v26 =	vadd.s32 $0x1106, v9;
	[tilespmem:$0x1FF90] =	vst v28  }
0xe: {  	s15 =	simm.s32 $0x2;
	s16 =	simm.s32 $0x12A00;
	s17 =	simm.s32 $0x3;
	v10 =	vadd.s32 $0x881, v9;
	v11 =	vadd.s32 $0x1101, v9;
	v32 =	vadd.s32 $0x1986, v9;
	[tilespmem:$0x1FFA0] =	vst v26  }
.Ltmp0:
0xf: {  	s18 =	simm.s32 $0x4;
	s7 =	sshll.u32 s1, $0x1;
	v60 =	vadd.s32 $0x1981, v9;
	v13 =	vor.u32 $0x2, v9;
	v62 =	vadd.s32 $0x882, v9;
	[tilespmem:$0x1FFB0] =	vst v32;
	(pc) =	sbr.rel .LBB2_1-.Ltmp0, $4  }
0x10: {  	s19 =	simm.s32 $0x0;
	s8 =	ssub.s32 $0x2, s6;
	s6 =	sor.u32 s6, s7;
	v17 =	vor.u32 $0x3, v9;
	v18 =	vadd.s32 $0x883, v9;
	v55 =	vor.u32 $0x4, v9;
	[tilespmem:$0x1FFC0] =	vst v59  }
0x11: {  	s4 =	sadd.s32 $0xF42800, s4;
	s31 =	sshrl.u32 s8, $0x1;
	s9 =	smul.u32 $0xC80, s6;
	v22 =	vadd.s32 $0x884, v9;
	v29 =	vor.u32 $0x5, v9;
	v31 =	vadd.s32 $0x1987, v9;
	[tilespmem:$0x1FFD0] =	vst v60  }
0x12: {  	s6 =	sshll.u32 s6, $0x2;
	v1 =	vadd.s32 $0x885, v9;
	v57 =	vor.u32 $0x6, v9;
	v30 =	vadd.s32 $0x886, v9;
	s7 =	ssub.s32 s8, s31;
	s8 =	simm.s32 $0x5;
	[tilespmem:$0x1FFE0] =	vst v31  }
0x13: {  	v33 =	vor.u32 $0x7, v9;
	v8 =	vadd.s32 $0x887, v9;
	v12 =	vadd.s32 $0x1107, v9;
	[tilespmem:$0x1FFF0] =	vst v13;
	s5 =	sadd.s32 s5, s9;
	s7 =	smax.u32 s7, $0x1;
	s9 =	simm.s32 $0x80  }
.LBB2_16:
0x14: {  	s19 =	sadd.s32 $0x1, s19  }
0x15: {  	p0 =	sne.s32 s19, s7  }
.Ltmp1:
0x16: {  	_ = 	snop;
	(pc) =	sbr.rel @!p0 .LBB2_17-.Ltmp1, $4  }
0x17: {  	_ = 	snop  }
0x18: {  	_ =	swait.ge [sflag:s18], $0x2000  }
0x19: {  	[sflag:s18] =	ssyncset.done $0x0;
	v23 =	vld [tilespmem:$0x1FF60]  }
0x1a: {  	v27 =	vld [tilespmem:$0x1FF80];
	[sflag:s18] =	ssyncadd.s32 $0xFFFFE000  }
.LBB2_1:
0x1b: {  	[tilespmem:s3], [sflag:$0x5] =	stream.linear.gather [hbm4b:s5+s3], $0x6400, $0x38;
	[tilespmem:$0x14C00] =	vst v63  }
0x1c: {  	_ =	swait.ge [sflag:s8], $0x6400  }
0x1d: {  	[sflag:s8] =	ssyncset.done $0x0  }
0x1e: {  	s20 =	simm.s32 $0x6400;
	s21 =	simm.s32 $0x0;
	[sflag:s8] =	ssyncadd.s32 $0xFFFF9C00  }
.LBB2_2:
0x1f: {  	v35 =	vadd.s32 s21, v0;
	_ =	sdelay $0x4  }
0x20: {  	s22 =	sadd.s32 $0x320, s21;
	v34 =	vmov s20;
	v35 =	vld.idx.msk [tilespmem:v35+s3+$0x0], $0xffff  }
0x21: {  	s23 =	simm.s32 $0x0;
	s24 =	simm.s32 $0x40;
	s25 =	simm.s32 $0x80;
	v36 =	vadd.s32 s22, v0  }
.LBB2_3:
0x22: {  	p0 =	sne.s32 s25, $0x7C0;
	_ =	sdelay $0x1  }
.Ltmp2:
0x23: {  	s26 =	sshra.s32 s23, $0x2;
	s23 =	smov.u32 s24;
	(pc) =	sbr.rel @p0 .LBB2_3-.Ltmp2, $4  }
0x24: {  	s24 =	smov.u32 s25;
	[tilespmem:v34+s26+$0x0 ss:$0x1] =	vst.idx.msk $0xffff, v35  }
0x25: {  	v35 =	vld.idx.msk [tilespmem:v36+s3+$0x0], $0xffff  }
0x26: {  	s22 =	sadd.s32 $0x320, s22  }
0x27: {  	s25 =	sadd.s32 $0x40, s25;
	v36 =	vadd.s32 s22, v0  }
0x28: {  	_ =	sdelay $0x2  }
0x29: {  	s22 =	sshra.s32 s23, $0x2  }
0x2a: {  	s21 =	sadd.s32 $0x1, s21;
	[tilespmem:v34+s22+$0x0 ss:$0x1] =	vst.idx.msk $0xffff, v35  }
0x2b: {  	p0 =	sne.s32 s21, $0x32;
	v35 =	vld.idx.msk [tilespmem:v36+s3+$0x0], $0xffff  }
.Ltmp3:
0x2c: {  	_ = 	snop;
	(pc) =	sbr.rel @p0 .LBB2_2-.Ltmp3, $3  }
0x2d: {  	_ =	sdelay $0x1  }
0x2e: {  	s31 =	sshra.s32 s24, $0x2  }
0x2f: {  	s20 =	sadd.s32 $0x200, s20;
	[tilespmem:v34+s31+$0x0 ss:$0x1] =	vst.idx.msk $0xffff, v35  }
0x30: {  	[tilespmem:s11], [sflag:$0x1] =	stream.indirect.gather [hbm4b:s4+s9], $0x40, s10, s9, $0xb8;
	[tilespmem:$0x14C00] =	vst v63  }
0x31: {  	s20 =	simm.s32 $0x0;
	s21 =	simm.s32 $0x0  }
.LBB2_6:
0x32: {  	s23 =	sshll.u32 s21, $0x1;
	p0 =	seq.s32 s21, $0x0;
	s30 =	simm.s32 $0x1  }
0x33: {  	s31 =	simm.s32 $0x2;
	s24 =	simm.s32 @!p0 $0x4;
	s22 =	sor.u32 $0x1, s23  }
0x34: {  	s26 =	simm.s32 $0x3;
	_ =	swait.ge @!p0 [sflag:s24], $0x2000;
	s25 =	sshll.u32 s22, $0x7  }
0x35: {  	s28 =	simm.s32 $0x6;
	[sflag:s24] =	ssyncset.done @!p0 $0x0;
	s25 =	sand.u32 $0x3FFFFF80, s25  }
0x36: {  	v34 =	vmov s20;
	v37 =	vmov s26;
	s26 =	simm.s32 $0x5;
	[sflag:s24] =	ssyncadd.s32 @!p0 $0xFFFFE000;
	s29 =	sadd.s32 $0x6400, s25  }
0x37: {  	v34 =	vshrl.u32 v34, $0x3;
	v35 =	vmov s30;
	v36 =	vmov s31;
	[tilespmem:s12], [sflag:$0x2] =	stream.indirect.gather [hbm4b:s4+s9], $0x40, s29, s9, $0xb8;
	[tilespmem:$0x14C00] =	vst v63  }
0x38: {  	v40 =	vmov s28;
	v39 =	vmov s26;
	v34 =	vshll.u32 v34, v2;
	s29 =	simm.s32 $0x7  }
0x39: {  	v35 =	vshrl.u32 v35, $0x3;
	v36 =	vshrl.u32 v36, $0x3;
	_ =	swait.ge [sflag:s13], $0x2000;
	v41 =	vmov s29  }
0x3a: {  	v37 =	vshrl.u32 v37, $0x3;
	v43 =	vshrl.u32 v40, $0x3;
	[sflag:s13] =	ssyncset.done $0x0;
	v41 =	vshrl.u32 v41, $0x3  }
0x3b: {  	v39 =	vshrl.u32 v39, $0x3;
	v16 =	vbroadcast v34, $0x0;
	s24 =	simm.s32 $0xC900;
	[sflag:s13] =	ssyncadd.s32 $0xFFFFE000;
	v41 =	vshll.u32 v41, v2  }
0x3c: {  	v35 =	vshll.u32 v35, v2;
	v36 =	vshll.u32 v36, v2;
	s25 =	simm.s32 $0x4;
	v60 =	vld [tilespmem:s24+$0xC0];
	v24 =	vbroadcast v41, $0x0  }
0x3d: {  	v37 =	vshll.u32 v37, v2;
	v43 =	vshll.u32 v43, v2;
	v38 =	vmov s25;
	v44 =	vld [tilespmem:s24+$0xFFFFFF00]  }
0x3e: {  	v20 =	vbroadcast v35, $0x0;
	v38 =	vshrl.u32 v38, $0x3;
	v46 =	vld [tilespmem:s24+$0xFFFFFF40];
	v47 =	vadd.s32 v33, v24  }
0x3f: {  	v63 =	vadd.s32 v9, v16;
	v45 =	vshll.u32 v38, v2;
	v38 =	vbroadcast v36, $0x0;
	v48 =	vld [tilespmem:s24+$0xFFFFFF80]  }
0x40: {  	v61 =	vshll.u32 v39, v2;
	v37 =	vbroadcast v37, $0x0;
	v49 =	vadd.s32 v4, v20;
	v50 =	vld [tilespmem:s24+$0xFFFFFFC0]  }
0x41: {  	v36 =	vbroadcast v45, $0x0;
	v51 =	vadd.s32 v13, v38;
	v52 =	vld [tilespmem:s24+$0x0];
	v41 =	vmul.f32 $8.000000000e+00, v60  }
0x42: {  	v34 =	vbroadcast v61, $0x0;
	v53 =	vadd.s32 v17, v37;
	v54 =	vld [tilespmem:s24+$0x40];
	v44 =	vmul.f32 $8.000000000e+00, v44  }
0x43: {  	v21 =	vmovc v55;
	v35 =	vbroadcast v43, $0x0;
	v56 =	vld [tilespmem:s24+$0x80];
	v55 =	vadd.s32 v55, v36;
	v46 =	vmul.f32 $8.000000000e+00, v46;
	[tilespmem:v47+s14+$0x0] =	vst.idx.msk $0xffff, v41  }
0x44: {  	v61 =	vmul.f32 $8.000000000e+00, v48;
	[tilespmem:v63+s14+$0x0] =	vst.idx.msk $0xffff, v44;
	v44 =	vadd.s32 v29, v34;
	v45 =	vld [tilespmem:s24+$0xD0]  }
0x45: {  	v48 =	vadd.s32 v57, v35;
	[tilespmem:v49+s14+$0x0] =	vst.idx.msk $0xffff, v46;
	v63 =	vmul.f32 $8.000000000e+00, v50;
	v47 =	vld [tilespmem:s24+$0xFFFFFF10]  }
0x46: {  	v32 =	vmul.f32 $8.000000000e+00, v52;
	[tilespmem:v51+s14+$0x0] =	vst.idx.msk $0xffff, v61;
	v51 =	vadd.s32 v8, v24;
	v50 =	vld [tilespmem:s24+$0xFFFFFF50]  }
0x47: {  	v25 =	vmovc v29;
	s30 =	simm.s32 $0x8;
	v42 =	vmul.f32 $8.000000000e+00, v54;
	v29 =	vmov v57;
	v57 =	vadd.s32 v6, v16;
	v58 =	vld [tilespmem:s24+$0xFFFFFF90];
	[tilespmem:v53+s14+$0x0] =	vst.idx.msk $0xffff, v63  }
0x48: {  	v60 =	vmov s30;
	v54 =	vadd.s32 v10, v20;
	[tilespmem:v55+s14+$0x0] =	vst.idx.msk $0xffff, v32;
	v32 =	vmul.f32 $8.000000000e+00, v56;
	v59 =	vld [tilespmem:s24+$0xFFFFFFD0]  }
0x49: {  	v43 =	vshrl.u32 v60, $0x3;
	v56 =	vadd.s32 v62, v38;
	v60 =	vld [tilespmem:s24+$0x10];
	[tilespmem:v44+s14+$0x0] =	vst.idx.msk $0xffff, v42;
	v44 =	vmul.f32 $8.000000000e+00, v45  }
0x4a: {  	[tilespmem:v48+s14+$0x0] =	vst.idx.msk $0xffff, v32;
	v46 =	vmul.f32 $8.000000000e+00, v47;
	v47 =	vadd.s32 v18, v37  }
0x4b: {  	v61 =	vld [tilespmem:s24+$0x50];
	v32 =	vmul.f32 $8.000000000e+00, v50;
	v50 =	vadd.s32 v22, v36;
	[tilespmem:v51+s14+$0x0] =	vst.idx.msk $0xffff, v44  }
0x4c: {  	v14 =	vmov v62;
	v62 =	vld [tilespmem:s24+$0x90];
	v63 =	vmul.f32 $8.000000000e+00, v58;
	[tilespmem:v57+s14+$0x0] =	vst.idx.msk $0xffff, v46  }
0x4d: {  	v46 =	vadd.s32 v1, v34;
	[tilespmem:v54+s14+$0x0] =	vst.idx.msk $0xffff, v32;
	v48 =	vmul.f32 $8.000000000e+00, v59;
	v51 =	vld [tilespmem:s24+$0xE0]  }
0x4e: {  	v54 =	vadd.s32 v30, v35;
	[tilespmem:v56+s14+$0x0] =	vst.idx.msk $0xffff, v63;
	v32 =	vmul.f32 $8.000000000e+00, v60;
	v57 =	vld [tilespmem:s24+$0xFFFFFF20]  }
0x4f: {  	v56 =	vadd.s32 v12, v24;
	v58 =	vld [tilespmem:s24+$0xFFFFFF60];
	[tilespmem:v47+s14+$0x0] =	vst.idx.msk $0xffff, v48  }
0x50: {  	v59 =	vadd.s32 v7, v16;
	v47 =	vmul.f32 $8.000000000e+00, v61;
	[tilespmem:v50+s14+$0x0] =	vst.idx.msk $0xffff, v32  }
0x51: {  	s31 =	simm.s32 $0x9;
	v61 =	vadd.s32 v11, v20;
	v32 =	vmul.f32 $8.000000000e+00, v62;
	v15 =	vld [tilespmem:$0x1FF20]  }
0x52: {  	v49 =	vmov s31;
	s31 =	simm.s32 $0xE;
	[tilespmem:v46+s14+$0x0] =	vst.idx.msk $0xffff, v47;
	v51 =	vmul.f32 $8.000000000e+00, v51  }
0x53: {  	v39 =	vmov s31;
	v44 =	vshll.u32 v43, v2;
	v46 =	vmul.f32 $8.000000000e+00, v57;
	v19 =	vld [tilespmem:$0x1FF40];
	[tilespmem:v54+s14+$0x0] =	vst.idx.msk $0xffff, v32  }
0x54: {  	v43 =	vshrl.u32 v39, $0x3;
	v60 =	vld [tilespmem:s24+$0xFFFFFFA0];
	v39 =	vbroadcast v44, $0x0;
	v44 =	vmul.f32 $8.000000000e+00, v58;
	[tilespmem:v56+s14+$0x0] =	vst.idx.msk $0xffff, v51  }
0x55: {  	[tilespmem:v59+s14+$0x0] =	vst.idx.msk $0xffff, v46  }
0x56: {  	[tilespmem:v61+s14+$0x0] =	vst.idx.msk $0xffff, v44;
	v50 =	vadd.s32 v15, v38  }
0x57: {  	v0 =	vld [tilespmem:$0x1FFA0];
	_ =	sdelay $0x1  }
0x58: {  	s26 =	simm.s32 $0xA;
	v60 =	vmul.f32 $8.000000000e+00, v60  }
0x59: {  	v52 =	vmov s26;
	s30 =	simm.s32 $0xD  }
0x5a: {  	v52 =	vshrl.u32 v52, $0x3;
	v45 =	vmov s30;
	[tilespmem:v50+s14+$0x0] =	vst.idx.msk $0xffff, v60  }
0x5b: {  	v26 =	vmovc v1;
	v1 =	vshrl.u32 v45, $0x3;
	v45 =	vshll.u32 v52, v2;
	v52 =	vadd.s32 v0, v35;
	v0 =	vld [tilespmem:$0x1FFE0];
	_ =	sdelay $0x1  }
0x5c: {  	v63 =	vld [tilespmem:s24+$0xFFFFFFE0]  }
0x5d: {  	v40 =	vld [tilespmem:s24+$0x20]  }
0x5e: {  	v42 =	vld [tilespmem:s24+$0x60];
	v41 =	vadd.s32 v19, v37  }
0x5f: {  	v54 =	vadd.s32 v0, v24;
	v0 =	vld [tilespmem:$0x1FFC0]  }
0x60: {  	s28 =	simm.s32 $0xB;
	v32 =	vld [tilespmem:s24+$0xA0]  }
0x61: {  	v53 =	vmov s28;
	v58 =	vadd.s32 v23, v36;
	v57 =	vld [tilespmem:s24+$0xF0];
	v61 =	vmul.f32 $8.000000000e+00, v63  }
0x62: {  	s29 =	simm.s32 $0xC;
	v53 =	vshrl.u32 v53, $0x3;
	v51 =	vld [tilespmem:s24+$0xFFFFFF30]  }
0x63: {  	v55 =	vmov s29;
	v49 =	vshrl.u32 v49, $0x3;
	v46 =	vshll.u32 v53, v2;
	v53 =	vld [tilespmem:s24+$0xFFFFFF70];
	[tilespmem:v41+s14+$0x0] =	vst.idx.msk $0xffff, v61  }
0x64: {  	v48 =	vshll.u32 v49, v2;
	v63 =	vmul.f32 $8.000000000e+00, v40;
	v49 =	vadd.s32 v0, v16;
	v0 =	vld [tilespmem:$0x1FFD0]  }
0x65: {  	v55 =	vshrl.u32 v55, $0x3;
	v50 =	vld [tilespmem:s24+$0xFFFFFFB0]  }
0x66: {  	v47 =	vshll.u32 v55, v2;
	v55 =	vld [tilespmem:s24+$0xFFFFFFF0];
	[tilespmem:v58+s14+$0x0] =	vst.idx.msk $0xffff, v63  }
0x67: {  	v16 =	vld [tilespmem:$0x1FF30]  }
0x68: {  	v24 =	vld [tilespmem:$0x1FF70]  }
0x69: {  	v56 =	vadd.s32 v27, v34;
	v40 =	vmul.f32 $8.000000000e+00, v42;
	v42 =	vadd.s32 v0, v20;
	v20 =	vld [tilespmem:$0x1FF50]  }
0x6a: {  	v28 =	vld [tilespmem:$0x1FF90]  }
0x6b: {  	v5 =	vmovc v9;
	v9 =	vmov v4;
	s25 =	simm.s32 $0x10;
	s26 =	simm.s32 $0xF;
	v44 =	vshll.u32 v1, v2;
	v41 =	vmul.f32 $8.000000000e+00, v32;
	v32 =	vld [tilespmem:$0x1FFB0]  }
.LBB2_7:
0x6c: {  	_ = 	snop  }
0x6d: {  	v58 =	vmov s26;
	v59 =	vld [tilespmem:s24+$0x30]  }
0x6e: {  	v38 =	vadd.s32 v16, v38;
	v37 =	vadd.s32 v20, v37;
	v31 =	vld [tilespmem:$0x1FFA0];
	[tilespmem:v56+s14+$0x0] =	vst.idx.msk $0xffff, v40;
	v61 =	vmul.f32 $8.000000000e+00, v57  }
0x6f: {  	v36 =	vadd.s32 v24, v36;
	v62 =	vshrl.u32 v58, $0x3;
	[tilespmem:v52+s14+$0x0] =	vst.idx.msk $0xffff, v41;
	v63 =	vld [tilespmem:s24+$0x70];
	v51 =	vmul.f32 $8.000000000e+00, v51  }
0x70: {  	v40 =	vmov v39;
	v39 =	vshll.u32 v62, v2;
	v58 =	vmul.f32 $8.000000000e+00, v53;
	v53 =	vld [tilespmem:s24+$0xB0];
	s24 =	sadd.s32 $0x200, s24;
	[tilespmem:v54+s14+$0x0] =	vst.idx.msk $0xffff, v61  }
0x71: {  	v34 =	vadd.s32 v28, v34;
	v41 =	vbroadcast v39, $0x0;
	v60 =	vmul.f32 $8.000000000e+00, v50;
	[tilespmem:v49+s14+$0x0] =	vst.idx.msk $0xffff, v51;
	v54 =	vld [tilespmem:s24+$0xC0]  }
0x72: {  	v43 =	vshll.u32 v43, v2;
	v35 =	vadd.s32 v32, v35;
	[tilespmem:v42+s14+$0x0] =	vst.idx.msk $0xffff, v58;
	v61 =	vmul.f32 $8.000000000e+00, v55;
	v49 =	vld [tilespmem:s24+$0xFFFFFF00]  }
0x73: {  	v62 =	vmul.f32 $8.000000000e+00, v59;
	v42 =	vbroadcast v48, $0x0;
	v48 =	vadd.s32 v33, v41;
	[tilespmem:v38+s14+$0x0] =	vst.idx.msk $0xffff, v60;
	v51 =	vld [tilespmem:s24+$0xFFFFFF40]  }
0x74: {  	v52 =	vadd.s32 v5, v40;
	v38 =	vbroadcast v45, $0x0;
	v55 =	vld [tilespmem:s24+$0xFFFFFF80];
	v63 =	vmul.f32 $8.000000000e+00, v63;
	[tilespmem:v37+s14+$0x0] =	vst.idx.msk $0xffff, v61  }
0x75: {  	[tilespmem:v36+s14+$0x0] =	vst.idx.msk $0xffff, v62;
	v50 =	vadd.s32 v9, v42;
	v37 =	vbroadcast v46, $0x0;
	v56 =	vld [tilespmem:s24+$0xFFFFFFC0];
	v59 =	vmul.f32 $8.000000000e+00, v53  }
0x76: {  	v36 =	vbroadcast v47, $0x0;
	v46 =	vadd.s32 v13, v38;
	v53 =	vld [tilespmem:s24+$0x0];
	[tilespmem:v34+s14+$0x0] =	vst.idx.msk $0xffff, v63;
	v60 =	vmul.f32 $8.000000000e+00, v54  }
0x77: {  	v34 =	vbroadcast v44, $0x0;
	[tilespmem:v35+s14+$0x0] =	vst.idx.msk $0xffff, v59;
	v61 =	vmul.f32 $8.000000000e+00, v49;
	v49 =	vadd.s32 v17, v37;
	v54 =	vld [tilespmem:s24+$0x40]  }
0x78: {  	v44 =	vadd.s32 v21, v36;
	v35 =	vbroadcast v43, $0x0;
	v62 =	vmul.f32 $8.000000000e+00, v51;
	v63 =	vld [tilespmem:s24+$0x80];
	[tilespmem:v48+s14+$0x0] =	vst.idx.msk $0xffff, v60  }
0x79: {  	v47 =	vadd.s32 v25, v34;
	[tilespmem:v52+s14+$0x0] =	vst.idx.msk $0xffff, v61;
	v60 =	vmul.f32 $8.000000000e+00, v55;
	v48 =	vld [tilespmem:s24+$0xD0]  }
0x7a: {  	[tilespmem:v50+s14+$0x0] =	vst.idx.msk $0xffff, v62;
	v61 =	vmul.f32 $8.000000000e+00, v56;
	v50 =	vadd.s32 v29, v35;
	v52 =	vld [tilespmem:s24+$0xFFFFFF10]  }
0x7b: {  	v62 =	vmul.f32 $8.000000000e+00, v53;
	v56 =	vld [tilespmem:s24+$0xFFFFFF50];
	[tilespmem:v46+s14+$0x0] =	vst.idx.msk $0xffff, v60;
	v46 =	vadd.s32 v8, v41  }
0x7c: {  	v57 =	vadd.s32 v6, v40;
	v59 =	vmov s25;
	v58 =	vld [tilespmem:s24+$0xFFFFFF90];
	[tilespmem:v49+s14+$0x0] =	vst.idx.msk $0xffff, v61;
	v39 =	vmul.f32 $8.000000000e+00, v54  }
0x7d: {  	v43 =	vshrl.u32 v59, $0x3;
	[tilespmem:v44+s14+$0x0] =	vst.idx.msk $0xffff, v62;
	v54 =	vadd.s32 v10, v42;
	v44 =	vmul.f32 $8.000000000e+00, v63;
	v59 =	vld [tilespmem:s24+$0xFFFFFFD0]  }
0x7e: {  	v51 =	vadd.s32 v14, v38;
	v60 =	vld [tilespmem:s24+$0x10];
	[tilespmem:v47+s14+$0x0] =	vst.idx.msk $0xffff, v39;
	v39 =	vmul.f32 $8.000000000e+00, v48  }
0x7f: {  	[tilespmem:v50+s14+$0x0] =	vst.idx.msk $0xffff, v44;
	v48 =	vmul.f32 $8.000000000e+00, v52;
	v52 =	vadd.s32 v18, v37;
	v61 =	vld [tilespmem:s24+$0x50]  }
0x80: {  	v50 =	vmul.f32 $8.000000000e+00, v56;
	v56 =	vadd.s32 v22, v36;
	v62 =	vld [tilespmem:s24+$0x90];
	[tilespmem:v46+s14+$0x0] =	vst.idx.msk $0xffff, v39  }
0x81: {  	[tilespmem:v57+s14+$0x0] =	vst.idx.msk $0xffff, v48;
	v63 =	vmul.f32 $8.000000000e+00, v58;
	v46 =	vadd.s32 v26, v34;
	v48 =	vld [tilespmem:s24+$0xE0]  }
0x82: {  	[tilespmem:v54+s14+$0x0] =	vst.idx.msk $0xffff, v50;
	v54 =	vadd.s32 v30, v35;
	v57 =	vld [tilespmem:s24+$0xFFFFFF20];
	v50 =	vmul.f32 $8.000000000e+00, v59  }
0x83: {  	s29 =	sadd.s32 $0x4, s25;
	v39 =	vshll.u32 v43, v2;
	v43 =	vmul.f32 $8.000000000e+00, v60;
	v58 =	vld [tilespmem:s24+$0xFFFFFF60];
	[tilespmem:v51+s14+$0x0] =	vst.idx.msk $0xffff, v63  }
0x84: {  	s31 =	sadd.s32 $0x2, s25;
	v45 =	vmov s29;
	v59 =	vadd.s32 v7, v40;
	v60 =	vld [tilespmem:s24+$0xFFFFFFA0];
	[tilespmem:v52+s14+$0x0] =	vst.idx.msk $0xffff, v50;
	v50 =	vmul.f32 $8.000000000e+00, v61  }
0x85: {  	s30 =	sadd.s32 $0x1, s25;
	v0 =	vadd.s32 v19, v37;
	v53 =	vmov s31;
	s31 =	sadd.s32 $0x6, s25;
	[tilespmem:v56+s14+$0x0] =	vst.idx.msk $0xffff, v43;
	v56 =	vmul.f32 $8.000000000e+00, v62;
	v63 =	vld [tilespmem:s24+$0xFFFFFFE0]  }
0x86: {  	v55 =	vmov s30;
	s30 =	sadd.s32 $0x5, s25;
	v44 =	vmov s31;
	v51 =	vadd.s32 v12, v41;
	v1 =	vld [tilespmem:s24+$0x20];
	[tilespmem:v46+s14+$0x0] =	vst.idx.msk $0xffff, v50  }
0x87: {  	v47 =	vmov s30;
	v43 =	vshrl.u32 v44, $0x3;
	[tilespmem:v54+s14+$0x0] =	vst.idx.msk $0xffff, v56;
	v44 =	vmul.f32 $8.000000000e+00, v57;
	v3 =	vld [tilespmem:s24+$0x60]  }
0x88: {  	v55 =	vshrl.u32 v55, $0x3;
	v52 =	vadd.s32 v11, v42;
	v62 =	vshrl.u32 v47, $0x3;
	v4 =	vld [tilespmem:s24+$0xA0]  }
0x89: {  	s28 =	sadd.s32 $0x3, s25;
	v47 =	vadd.s32 v15, v38;
	v46 =	vmul.f32 $8.000000000e+00, v48;
	[tilespmem:v59+s14+$0x0] =	vst.idx.msk $0xffff, v44;
	v44 =	vmul.f32 $8.000000000e+00, v60;
	v60 =	vld [tilespmem:$0x1FFD0]  }
0x8a: {  	v53 =	vshrl.u32 v53, $0x3;
	v49 =	vmov s28;
	v50 =	vmul.f32 $8.000000000e+00, v58;
	v59 =	vld [tilespmem:$0x1FFC0]  }
0x8b: {  	p0 =	slt.u32 s25, $0x78;
	v58 =	vadd.s32 v23, v36;
	v48 =	vshll.u32 v55, v2;
	[tilespmem:v51+s14+$0x0] =	vst.idx.msk $0xffff, v46;
	v55 =	vmul.f32 $8.000000000e+00, v63;
	v63 =	vld [tilespmem:$0x1FFE0]  }
.Ltmp4:
0x8c: {  	v49 =	vshrl.u32 v49, $0x3;
	v61 =	vshrl.u32 v45, $0x3;
	v45 =	vshll.u32 v53, v2;
	v57 =	vld [tilespmem:s24+$0xF0];
	(pc) =	sbr.rel @p0 .LBB2_7-.Ltmp4, $4  }
0x8d: {  	v39 =	vbroadcast v39, $0x0;
	v56 =	vadd.s32 v27, v34;
	[tilespmem:v52+s14+$0x0] =	vst.idx.msk $0xffff, v50;
	v52 =	vadd.s32 v31, v35;
	v51 =	vld [tilespmem:s24+$0xFFFFFF30]  }
0x8e: {  	v46 =	vshll.u32 v49, v2;
	v53 =	vld [tilespmem:s24+$0xFFFFFF70];
	v1 =	vmul.f32 $8.000000000e+00, v1;
	[tilespmem:v47+s14+$0x0] =	vst.idx.msk $0xffff, v44;
	v47 =	vshll.u32 v61, v2  }
0x8f: {  	v44 =	vshll.u32 v62, v2;
	v50 =	vld [tilespmem:s24+$0xFFFFFFB0];
	[tilespmem:v0+s14+$0x0] =	vst.idx.msk $0xffff, v55;
	v49 =	vadd.s32 v59, v40;
	v40 =	vmul.f32 $8.000000000e+00, v3  }
0x90: {  	s26 =	sadd.s32 $0x7, s25;
	s25 =	sadd.s32 $0x8, s25;
	[tilespmem:v58+s14+$0x0] =	vst.idx.msk $0xffff, v1;
	v55 =	vld [tilespmem:s24+$0xFFFFFFF0];
	v42 =	vadd.s32 v60, v42;
	v54 =	vadd.s32 v63, v41;
	v41 =	vmul.f32 $8.000000000e+00, v4  }
0x91: {  	_ =	sdelay $0x3  }
0x92: {  	v0 =	vmov s26;
	v1 =	vadd.s32 v16, v38;
	v3 =	vld [tilespmem:s24+$0x30];
	[tilespmem:v56+s14+$0x0] =	vst.idx.msk $0xffff, v40;
	v4 =	vmul.f32 $8.000000000e+00, v57  }
0x93: {  	v37 =	vadd.s32 v20, v37;
	v0 =	vshrl.u32 v0, $0x3;
	v58 =	vmul.f32 $8.000000000e+00, v51;
	v40 =	vld [tilespmem:s24+$0x70];
	[tilespmem:v52+s14+$0x0] =	vst.idx.msk $0xffff, v41  }
0x94: {  	v36 =	vadd.s32 v24, v36;
	s31 =	sadd.s32 $0x200, s24;
	v0 =	vshll.u32 v0, v2;
	v61 =	vmul.f32 $8.000000000e+00, v53;
	v62 =	vld [tilespmem:s24+$0xB0];
	[tilespmem:v54+s14+$0x0] =	vst.idx.msk $0xffff, v4  }
0x95: {  	v34 =	vadd.s32 v28, v34;
	v4 =	vld [tilespmem:s31+$0xC0];
	v0 =	vbroadcast v0, $0x0;
	[tilespmem:v49+s14+$0x0] =	vst.idx.msk $0xffff, v58;
	v53 =	vmul.f32 $8.000000000e+00, v50  }
0x96: {  	v43 =	vshll.u32 v43, v2;
	v35 =	vadd.s32 v32, v35;
	v49 =	vld [tilespmem:s31+$0xFFFFFF00];
	[tilespmem:v42+s14+$0x0] =	vst.idx.msk $0xffff, v61;
	v54 =	vmul.f32 $8.000000000e+00, v55  }
0x97: {  	v48 =	vbroadcast v48, $0x0;
	v55 =	vld [tilespmem:s31+$0xFFFFFF40];
	v50 =	vadd.s32 v33, v0;
	[tilespmem:v1+s14+$0x0] =	vst.idx.msk $0xffff, v53;
	v1 =	vmul.f32 $8.000000000e+00, v3  }
0x98: {  	v45 =	vbroadcast v45, $0x0;
	v56 =	vld [tilespmem:s31+$0xFFFFFF80];
	v3 =	vadd.s32 v5, v39;
	[tilespmem:v37+s14+$0x0] =	vst.idx.msk $0xffff, v54;
	v57 =	vmul.f32 $8.000000000e+00, v40  }
0x99: {  	v46 =	vbroadcast v46, $0x0;
	v58 =	vadd.s32 v9, v48;
	v61 =	vld [tilespmem:s31+$0xFFFFFFC0];
	[tilespmem:v36+s14+$0x0] =	vst.idx.msk $0xffff, v1;
	v1 =	vmul.f32 $8.000000000e+00, v62  }
0x9a: {  	v47 =	vbroadcast v47, $0x0;
	v36 =	vadd.s32 v13, v45;
	v62 =	vld [tilespmem:s31+$0x0];
	v4 =	vmul.f32 $8.000000000e+00, v4;
	[tilespmem:v34+s14+$0x0] =	vst.idx.msk $0xffff, v57  }
0x9b: {  	v44 =	vbroadcast v44, $0x0;
	v37 =	vadd.s32 v17, v46;
	v53 =	vmul.f32 $8.000000000e+00, v49;
	v49 =	vld [tilespmem:s31+$0x40];
	[tilespmem:v35+s14+$0x0] =	vst.idx.msk $0xffff, v1  }
0x9c: {  	v43 =	vbroadcast v43, $0x0;
	v54 =	vadd.s32 v21, v47;
	v1 =	vmul.f32 $8.000000000e+00, v55;
	v55 =	vld [tilespmem:s31+$0x80];
	[tilespmem:v50+s14+$0x0] =	vst.idx.msk $0xffff, v4  }
0x9d: {  	[tilespmem:v3+s14+$0x0] =	vst.idx.msk $0xffff, v53;
	v3 =	vmul.f32 $8.000000000e+00, v56;
	v4 =	vadd.s32 v25, v44;
	v56 =	vld [tilespmem:s31+$0xD0]  }
0x9e: {  	v57 =	vld [tilespmem:s31+$0xFFFFFF10];
	[tilespmem:v58+s14+$0x0] =	vst.idx.msk $0xffff, v1;
	v1 =	vmul.f32 $8.000000000e+00, v61;
	v58 =	vadd.s32 v29, v43  }
0x9f: {  	v61 =	vld [tilespmem:s31+$0xFFFFFF50];
	[tilespmem:v36+s14+$0x0] =	vst.idx.msk $0xffff, v3;
	v3 =	vmul.f32 $8.000000000e+00, v62;
	v36 =	vadd.s32 v8, v0  }
0xa0: {  	v50 =	vadd.s32 v6, v39;
	v62 =	vld [tilespmem:s31+$0xFFFFFF90];
	[tilespmem:v37+s14+$0x0] =	vst.idx.msk $0xffff, v1;
	v1 =	vmul.f32 $8.000000000e+00, v49  }
0xa1: {  	v52 =	vadd.s32 v10, v48;
	v53 =	vld [tilespmem:s31+$0xFFFFFFD0];
	[tilespmem:v54+s14+$0x0] =	vst.idx.msk $0xffff, v3;
	v3 =	vmul.f32 $8.000000000e+00, v55  }
0xa2: {  	v54 =	vadd.s32 v14, v45;
	v55 =	vld [tilespmem:s31+$0x10];
	[tilespmem:v4+s14+$0x0] =	vst.idx.msk $0xffff, v1;
	v1 =	vmul.f32 $8.000000000e+00, v56  }
0xa3: {  	v4 =	vmul.f32 $8.000000000e+00, v57;
	v56 =	vadd.s32 v18, v46;
	v57 =	vld [tilespmem:s31+$0x50];
	[tilespmem:v58+s14+$0x0] =	vst.idx.msk $0xffff, v3  }
0xa4: {  	v58 =	vadd.s32 v22, v47;
	v3 =	vmul.f32 $8.000000000e+00, v61;
	v61 =	vld [tilespmem:s31+$0x90];
	[tilespmem:v36+s14+$0x0] =	vst.idx.msk $0xffff, v1  }
0xa5: {  	[tilespmem:v50+s14+$0x0] =	vst.idx.msk $0xffff, v4;
	v1 =	vmul.f32 $8.000000000e+00, v62;
	v4 =	vadd.s32 v26, v44;
	v36 =	vld [tilespmem:s31+$0xE0]  }
0xa6: {  	v37 =	vadd.s32 v30, v43;
	v50 =	vld [tilespmem:s31+$0xFFFFFF20];
	[tilespmem:v52+s14+$0x0] =	vst.idx.msk $0xffff, v3;
	v3 =	vmul.f32 $8.000000000e+00, v53  }
0xa7: {  	v35 =	vadd.s32 v12, v0;
	v62 =	vld [tilespmem:s31+$0xFFFFFF60];
	[tilespmem:v54+s14+$0x0] =	vst.idx.msk $0xffff, v1;
	v1 =	vmul.f32 $8.000000000e+00, v55  }
0xa8: {  	v42 =	vadd.s32 v7, v39;
	v51 =	vld [tilespmem:s31+$0xFFFFFFA0];
	[tilespmem:v56+s14+$0x0] =	vst.idx.msk $0xffff, v3;
	v3 =	vmul.f32 $8.000000000e+00, v57  }
0xa9: {  	v54 =	vadd.s32 v11, v48;
	v55 =	vld [tilespmem:s31+$0xFFFFFFE0];
	[tilespmem:v58+s14+$0x0] =	vst.idx.msk $0xffff, v1;
	v1 =	vmul.f32 $8.000000000e+00, v61  }
0xaa: {  	v56 =	vadd.s32 v15, v45;
	v57 =	vld [tilespmem:s31+$0x20];
	[tilespmem:v4+s14+$0x0] =	vst.idx.msk $0xffff, v3;
	v3 =	vmul.f32 $8.000000000e+00, v36  }
0xab: {  	v58 =	vadd.s32 v19, v46;
	v4 =	vmul.f32 $8.000000000e+00, v50;
	v61 =	vld [tilespmem:s31+$0x60];
	[tilespmem:v37+s14+$0x0] =	vst.idx.msk $0xffff, v1  }
0xac: {  	v1 =	vmul.f32 $8.000000000e+00, v62;
	v62 =	vadd.s32 v23, v47;
	v52 =	vld [tilespmem:s31+$0xA0];
	[tilespmem:v35+s14+$0x0] =	vst.idx.msk $0xffff, v3  }
0xad: {  	[tilespmem:v42+s14+$0x0] =	vst.idx.msk $0xffff, v4;
	v3 =	vmul.f32 $8.000000000e+00, v51;
	v4 =	vadd.s32 v27, v44;
	v35 =	vld [tilespmem:s31+$0xF0]  }
0xae: {  	v53 =	vadd.s32 v31, v43;
	v42 =	vld [tilespmem:s31+$0xFFFFFF30];
	[tilespmem:v54+s14+$0x0] =	vst.idx.msk $0xffff, v1;
	v1 =	vmul.f32 $8.000000000e+00, v55  }
0xaf: {  	v0 =	vadd.s32 v63, v0;
	v54 =	vld [tilespmem:s31+$0xFFFFFF70];
	[tilespmem:v56+s14+$0x0] =	vst.idx.msk $0xffff, v3;
	v3 =	vmul.f32 $8.000000000e+00, v57  }
0xb0: {  	v55 =	vadd.s32 v59, v39;
	v40 =	vld [tilespmem:s31+$0xFFFFFFB0];
	[tilespmem:v58+s14+$0x0] =	vst.idx.msk $0xffff, v1;
	v1 =	vmul.f32 $8.000000000e+00, v61  }
0xb1: {  	v56 =	vadd.s32 v60, v48;
	v57 =	vld [tilespmem:s31+$0xFFFFFFF0];
	[tilespmem:v62+s14+$0x0] =	vst.idx.msk $0xffff, v3;
	v3 =	vmul.f32 $8.000000000e+00, v52  }
0xb2: {  	v58 =	vadd.s32 v16, v45;
	v59 =	vld [tilespmem:s31+$0x30];
	[tilespmem:v4+s14+$0x0] =	vst.idx.msk $0xffff, v1;
	v1 =	vmul.f32 $8.000000000e+00, v35  }
0xb3: {  	v60 =	vadd.s32 v20, v46;
	v4 =	vmul.f32 $8.000000000e+00, v42;
	v61 =	vld [tilespmem:s31+$0x70];
	[tilespmem:v53+s14+$0x0] =	vst.idx.msk $0xffff, v3  }
0xb4: {  	v62 =	vadd.s32 v24, v47;
	v3 =	vmul.f32 $8.000000000e+00, v54;
	v63 =	vld [tilespmem:s31+$0xB0];
	[tilespmem:v0+s14+$0x0] =	vst.idx.msk $0xffff, v1  }
0xb5: {  	[tilespmem:v55+s14+$0x0] =	vst.idx.msk $0xffff, v4;
	v0 =	vmul.f32 $8.000000000e+00, v40;
	v1 =	vadd.s32 v28, v44  }
0xb6: {  	v4 =	vadd.s32 v32, v43;
	[tilespmem:v56+s14+$0x0] =	vst.idx.msk $0xffff, v3;
	v3 =	vmul.f32 $8.000000000e+00, v57  }
0xb7: {  	[tilespmem:v58+s14+$0x0] =	vst.idx.msk $0xffff, v0;
	v0 =	vmul.f32 $8.000000000e+00, v59  }
0xb8: {  	s25 =	sshll.u32 s21, $0x10;
	s23 =	sand.u32 $0x2, s23;
	[tilespmem:v60+s14+$0x0] =	vst.idx.msk $0xffff, v3;
	v3 =	vmul.f32 $8.000000000e+00, v61  }
0xb9: {  	s23 =	sor.u32 s6, s23;
	s24 =	sand.u32 $0x7E0000, s25;
	[tilespmem:v62+s14+$0x0] =	vst.idx.msk $0xffff, v0;
	v0 =	vmul.f32 $8.000000000e+00, v63  }
0xba: {  	s25 =	sshll.u32 s23, $0x7;
	s23 =	sadd.s32 s0, s24;
	[tilespmem:v1+s14+$0x0] =	vst.idx.msk $0xffff, v3  }
0xbb: {  	s26 =	simm.s32 $0x10800;
	s25 =	sadd.s32 s25, s23;
	[tilespmem:v4+s14+$0x0] =	vst.idx.msk $0xffff, v0  }
0xbc: {  	[hbm4b:s25+s3] =	stream.linear.scatter [tilespmem:s26], [sflag:$0x3], $0x80, $0x38;
	[tilespmem:$0x14C00] =	vst v63  }
0xbd: {  	s30 =	simm.s32 $0x10888;
	s31 =	sadd.s32 $0x10, s25  }
0xbe: {  	[hbm4b:s31+s3] =	stream.linear.scatter [tilespmem:s30], [sflag:$0x3], $0x80, $0x38;
	[tilespmem:$0x14C00] =	vst v63  }
0xbf: {  	s28 =	simm.s32 $0x10BB8;
	s30 =	simm.s32 $0x10910;
	s31 =	sadd.s32 $0x20, s25  }
0xc0: {  	[hbm4b:s31+s3] =	stream.linear.scatter [tilespmem:s30], [sflag:$0x3], $0x80, $0x38;
	[tilespmem:$0x14C00] =	vst v63  }
0xc1: {  	s24 =	simm.s32 $0x440;
	s30 =	simm.s32 $0x10998;
	s31 =	sadd.s32 $0x30, s25  }
0xc2: {  	[hbm4b:s31+s3] =	stream.linear.scatter [tilespmem:s30], [sflag:$0x3], $0x80, $0x38;
	[tilespmem:$0x14C00] =	vst v63  }
0xc3: {  	s29 =	sadd.s32 $0x70, s25;
	s30 =	simm.s32 $0x10A20;
	s31 =	sadd.s32 $0x40, s25  }
0xc4: {  	[hbm4b:s31+s3] =	stream.linear.scatter [tilespmem:s30], [sflag:$0x3], $0x80, $0x38;
	[tilespmem:$0x14C00] =	vst v63  }
0xc5: {  	s26 =	simm.s32 $0x2200;
	s30 =	simm.s32 $0x10AA8;
	s31 =	sadd.s32 $0x50, s25  }
0xc6: {  	[hbm4b:s31+s3] =	stream.linear.scatter [tilespmem:s30], [sflag:$0x3], $0x80, $0x38;
	[tilespmem:$0x14C00] =	vst v63  }
0xc7: {  	s30 =	simm.s32 $0x10B30;
	s31 =	sadd.s32 $0x60, s25;
	s25 =	sadd.s32 $0x4000, s25  }
0xc8: {  	[hbm4b:s31+s3] =	stream.linear.scatter [tilespmem:s30], [sflag:$0x3], $0x80, $0x38;
	[tilespmem:$0x14C00] =	vst v63  }
.LBB2_9:
0xc9: {  	[hbm4b:s29+s3] =	stream.linear.scatter [tilespmem:s28], [sflag:$0x3], $0x80, $0x38;
	[tilespmem:$0x14C00] =	vst v63  }
0xca: {  	s28 =	smov.u32 s24;
	s24 =	smov.u32 s26  }
0xcb: {  	s30 =	sadd.s32 $0x1100, s26;
	s24 =	sshra.s32 s24, $0x2;
	s29 =	sadd.s32 $0x10800, s28  }
0xcc: {  	[hbm4b:s25+s3] =	stream.linear.scatter [tilespmem:s29], [sflag:$0x3], $0x80, $0x38;
	[tilespmem:$0x14C00] =	vst v63  }
0xcd: {  	p0 =	sne.s32 s26, $0x7700;
	s26 =	sadd.s32 $0x10888, s28;
	s29 =	sadd.s32 $0x10, s25  }
0xce: {  	[hbm4b:s29+s3] =	stream.linear.scatter [tilespmem:s26], [sflag:$0x3], $0x80, $0x38;
	[tilespmem:$0x14C00] =	vst v63  }
0xcf: {  	s26 =	sadd.s32 $0x10910, s28;
	s29 =	sadd.s32 $0x20, s25  }
0xd0: {  	[hbm4b:s29+s3] =	stream.linear.scatter [tilespmem:s26], [sflag:$0x3], $0x80, $0x38;
	[tilespmem:$0x14C00] =	vst v63  }
0xd1: {  	s26 =	sadd.s32 $0x10998, s28;
	s29 =	sadd.s32 $0x30, s25  }
0xd2: {  	[hbm4b:s29+s3] =	stream.linear.scatter [tilespmem:s26], [sflag:$0x3], $0x80, $0x38;
	[tilespmem:$0x14C00] =	vst v63  }
0xd3: {  	s26 =	sadd.s32 $0x10A20, s28;
	s29 =	sadd.s32 $0x40, s25  }
0xd4: {  	[hbm4b:s29+s3] =	stream.linear.scatter [tilespmem:s26], [sflag:$0x3], $0x80, $0x38;
	[tilespmem:$0x14C00] =	vst v63  }
.Ltmp5:
0xd5: {  	s26 =	sadd.s32 $0x10AA8, s28;
	s29 =	sadd.s32 $0x50, s25;
	(pc) =	sbr.rel @p0 .LBB2_9-.Ltmp5, $4  }
0xd6: {  	[hbm4b:s29+s3] =	stream.linear.scatter [tilespmem:s26], [sflag:$0x3], $0x80, $0x38;
	[tilespmem:$0x14C00] =	vst v63  }
0xd7: {  	s26 =	sadd.s32 $0x10B30, s28;
	s29 =	sadd.s32 $0x60, s25;
	s28 =	sadd.s32 $0x10BB8, s28  }
0xd8: {  	[hbm4b:s29+s3] =	stream.linear.scatter [tilespmem:s26], [sflag:$0x3], $0x80, $0x38;
	[tilespmem:$0x14C00] =	vst v63  }
0xd9: {  	s29 =	sadd.s32 $0x70, s25;
	s25 =	sadd.s32 $0x4000, s25;
	s26 =	smov.u32 s30  }
0xda: {  	[hbm4b:s29+s3] =	stream.linear.scatter [tilespmem:s28], [sflag:$0x3], $0x80, $0x38;
	[tilespmem:$0x14C00] =	vst v63  }
0xdb: {  	s26 =	sadd.s32 $0x10800, s24  }
0xdc: {  	[hbm4b:s25+s3] =	stream.linear.scatter [tilespmem:s26], [sflag:$0x3], $0x80, $0x38;
	[tilespmem:$0x14C00] =	vst v63  }
0xdd: {  	s31 =	sadd.s32 $0x10888, s24;
	s29 =	sadd.s32 $0x10, s25  }
0xde: {  	[hbm4b:s29+s3] =	stream.linear.scatter [tilespmem:s31], [sflag:$0x3], $0x80, $0x38;
	[tilespmem:$0x14C00] =	vst v63  }
0xdf: {  	s30 =	sadd.s32 $0x10910, s24;
	s31 =	sadd.s32 $0x20, s25  }
0xe0: {  	[hbm4b:s31+s3] =	stream.linear.scatter [tilespmem:s30], [sflag:$0x3], $0x80, $0x38;
	[tilespmem:$0x14C00] =	vst v63  }
0xe1: {  	s29 =	sadd.s32 $0x10998, s24;
	s30 =	sadd.s32 $0x30, s25  }
0xe2: {  	[hbm4b:s30+s3] =	stream.linear.scatter [tilespmem:s29], [sflag:$0x3], $0x80, $0x38;
	[tilespmem:$0x14C00] =	vst v63  }
0xe3: {  	s31 =	sadd.s32 $0x10A20, s24;
	s29 =	sadd.s32 $0x40, s25  }
0xe4: {  	[hbm4b:s29+s3] =	stream.linear.scatter [tilespmem:s31], [sflag:$0x3], $0x80, $0x38;
	[tilespmem:$0x14C00] =	vst v63  }
0xe5: {  	s28 =	simm.s32 $0x0;
	s30 =	sadd.s32 $0x10AA8, s24;
	s31 =	sadd.s32 $0x50, s25  }
0xe6: {  	[hbm4b:s31+s3] =	stream.linear.scatter [tilespmem:s30], [sflag:$0x3], $0x80, $0x38;
	[tilespmem:$0x14C00] =	vst v63  }
0xe7: {  	v0 =	vmov s28;
	s29 =	sadd.s32 $0x10B30, s24;
	s30 =	sadd.s32 $0x60, s25  }
0xe8: {  	v0 =	vshrl.u32 v0, $0x3;
	[hbm4b:s30+s3] =	stream.linear.scatter [tilespmem:s29], [sflag:$0x3], $0x80, $0x38;
	[tilespmem:$0x14C00] =	vst v63  }
0xe9: {  	s28 =	simm.s32 $0x6;
	s26 =	sadd.s32 $0x70, s25;
	v0 =	vshll.u32 v0, v2;
	s29 =	simm.s32 $0x1  }
0xea: {  	v36 =	vmov s28;
	v40 =	vbroadcast v0, $0x0;
	s31 =	sadd.s32 $0x10BB8, s24;
	s25 =	simm.s32 $0x4;
	v1 =	vmov s29;
	s29 =	simm.s32 $0x7  }
0xeb: {  	v36 =	vshrl.u32 v36, $0x3;
	v34 =	vmov s25;
	[hbm4b:s26+s3] =	stream.linear.scatter [tilespmem:s31], [sflag:$0x3], $0x80, $0x38;
	[tilespmem:$0x14C00] =	vst v63  }
0xec: {  	v44 =	vadd.s32 v5, v40;
	s30 =	simm.s32 $0x2;
	v34 =	vshrl.u32 v34, $0x3;
	v37 =	vmov s29;
	_ =	swait.ge [sflag:s15], $0x2000  }
0xed: {  	s24 =	simm.s32 $0xE900;
	v3 =	vmov s30;
	v34 =	vshll.u32 v34, v2;
	v37 =	vshrl.u32 v37, $0x3;
	[sflag:s15] =	ssyncset.done $0x0  }
0xee: {  	s31 =	simm.s32 $0x3;
	s26 =	simm.s32 $0x5;
	v1 =	vshrl.u32 v1, $0x3;
	v3 =	vshrl.u32 v3, $0x3;
	v37 =	vshll.u32 v37, v2;
	[sflag:s15] =	ssyncadd.s32 $0xFFFFE000  }
0xef: {  	v4 =	vmov s31;
	v35 =	vmov s26;
	v42 =	vbroadcast v37, $0x0;
	v0 =	vld [tilespmem:s24+$0xC0]  }
0xf0: {  	v1 =	vshll.u32 v1, v2;
	v3 =	vshll.u32 v3, v2;
	v4 =	vshrl.u32 v4, $0x3;
	v39 =	vld [tilespmem:s24+$0xFFFFFF00]  }
0xf1: {  	v35 =	vshrl.u32 v35, $0x3;
	v16 =	vbroadcast v1, $0x0;
	v43 =	vld [tilespmem:s24+$0xFFFFFF40];
	v1 =	vadd.s32 v33, v42  }
0xf2: {  	v38 =	vbroadcast v3, $0x0;
	v3 =	vshll.u32 v36, v2;
	v4 =	vshll.u32 v4, v2;
	v45 =	vld [tilespmem:s24+$0xFFFFFF80]  }
0xf3: {  	v36 =	vbroadcast v34, $0x0;
	v46 =	vadd.s32 v9, v16;
	v47 =	vld [tilespmem:s24+$0xFFFFFFC0];
	v37 =	vbroadcast v4, $0x0  }
0xf4: {  	v35 =	vshll.u32 v35, v2;
	v4 =	vadd.s32 v13, v38;
	v48 =	vld [tilespmem:s24+$0x0];
	v0 =	vmul.f32 $8.000000000e+00, v0  }
0xf5: {  	v50 =	vld [tilespmem:s24+$0x40];
	v34 =	vbroadcast v35, $0x0;
	v49 =	vadd.s32 v17, v37;
	v39 =	vmul.f32 $8.000000000e+00, v39  }
0xf6: {  	v51 =	vadd.s32 v21, v36;
	v52 =	vld [tilespmem:s24+$0x80];
	v35 =	vbroadcast v3, $0x0;
	v43 =	vmul.f32 $8.000000000e+00, v43;
	[tilespmem:v1+s16+$0x0] =	vst.idx.msk $0xffff, v0  }
0xf7: {  	v3 =	vadd.s32 v25, v34;
	[tilespmem:v44+s16+$0x0] =	vst.idx.msk $0xffff, v39;
	v1 =	vmul.f32 $8.000000000e+00, v45;
	v60 =	vld [tilespmem:s24+$0xD0]  }
0xf8: {  	v61 =	vmul.f32 $8.000000000e+00, v47;
	[tilespmem:v46+s16+$0x0] =	vst.idx.msk $0xffff, v43;
	v45 =	vadd.s32 v29, v35;
	v44 =	vld [tilespmem:s24+$0xFFFFFF10]  }
0xf9: {  	v47 =	vld [tilespmem:s24+$0xFFFFFF50];
	[tilespmem:v4+s16+$0x0] =	vst.idx.msk $0xffff, v1;
	v1 =	vmul.f32 $8.000000000e+00, v48;
	v4 =	vadd.s32 v8, v42  }
0xfa: {  	v53 =	vadd.s32 v6, v40;
	v62 =	vmul.f32 $8.000000000e+00, v50;
	[tilespmem:v49+s16+$0x0] =	vst.idx.msk $0xffff, v61;
	v54 =	vld [tilespmem:s24+$0xFFFFFF90]  }
0xfb: {  	v63 =	vadd.s32 v10, v16;
	v55 =	vld [tilespmem:s24+$0xFFFFFFD0];
	[tilespmem:v51+s16+$0x0] =	vst.idx.msk $0xffff, v1;
	v1 =	vmul.f32 $8.000000000e+00, v52  }
0xfc: {  	v32 =	vadd.s32 v14, v38;
	[tilespmem:v3+s16+$0x0] =	vst.idx.msk $0xffff, v62;
	v56 =	vld [tilespmem:s24+$0x10];
	v3 =	vmul.f32 $8.000000000e+00, v60  }
0xfd: {  	v61 =	vadd.s32 v18, v37;
	v57 =	vld [tilespmem:s24+$0x50];
	v60 =	vmul.f32 $8.000000000e+00, v44;
	[tilespmem:v45+s16+$0x0] =	vst.idx.msk $0xffff, v1  }
0xfe: {  	v62 =	vmul.f32 $8.000000000e+00, v47;
	v47 =	vadd.s32 v22, v36;
	v58 =	vld [tilespmem:s24+$0x90];
	[tilespmem:v4+s16+$0x0] =	vst.idx.msk $0xffff, v3  }
0xff: {  	s30 =	simm.s32 $0x8;
	s26 =	simm.s32 $0xA;
	v50 =	vadd.s32 v30, v35;
	[tilespmem:v53+s16+$0x0] =	vst.idx.msk $0xffff, v60;
	v3 =	vmul.f32 $8.000000000e+00, v54;
	v4 =	vadd.s32 v26, v34;
	v43 =	vld [tilespmem:s24+$0xE0]  }
0x100: {  	v0 =	vmov s30;
	v48 =	vmov s26;
	[tilespmem:v63+s16+$0x0] =	vst.idx.msk $0xffff, v62;
	v63 =	vmul.f32 $8.000000000e+00, v55;
	v53 =	vld [tilespmem:s24+$0xFFFFFF20]  }
0x101: {  	s31 =	simm.s32 $0x9;
	v52 =	vadd.s32 v12, v42;
	v54 =	vshrl.u32 v48, $0x3;
	v48 =	vld [tilespmem:s24+$0xFFFFFF60];
	[tilespmem:v32+s16+$0x0] =	vst.idx.msk $0xffff, v3;
	v3 =	vmul.f32 $8.000000000e+00, v56  }
0x102: {  	v46 =	vmov s31;
	v41 =	vmul.f32 $8.000000000e+00, v57;
	v55 =	vadd.s32 v7, v40;
	[tilespmem:v61+s16+$0x0] =	vst.idx.msk $0xffff, v63  }
0x103: {  	s30 =	simm.s32 $0xD;
	s31 =	simm.s32 $0xE;
	v0 =	vshrl.u32 v0, $0x3;
	v60 =	vadd.s32 v11, v16;
	[tilespmem:v47+s16+$0x0] =	vst.idx.msk $0xffff, v3;
	v3 =	vmul.f32 $8.000000000e+00, v58  }
0x104: {  	v39 =	vmov s30;
	v1 =	vmov s31;
	[tilespmem:v4+s16+$0x0] =	vst.idx.msk $0xffff, v41;
	v4 =	vmul.f32 $8.000000000e+00, v43  }
0x105: {  	v0 =	vshll.u32 v0, v2;
	v32 =	vld [tilespmem:s24+$0xFFFFFFA0];
	v43 =	vshrl.u32 v1, $0x3;
	v1 =	vmul.f32 $8.000000000e+00, v53;
	[tilespmem:v50+s16+$0x0] =	vst.idx.msk $0xffff, v3  }
0x106: {  	v58 =	vshrl.u32 v39, $0x3;
	v39 =	vbroadcast v0, $0x0;
	v0 =	vmul.f32 $8.000000000e+00, v48;
	v13 =	vld [tilespmem:$0x1FF60];
	[tilespmem:v52+s16+$0x0] =	vst.idx.msk $0xffff, v4  }
0x107: {  	[tilespmem:v55+s16+$0x0] =	vst.idx.msk $0xffff, v1  }
0x108: {  	v47 =	vadd.s32 v15, v38;
	v27 =	vld [tilespmem:$0x1FF80];
	[tilespmem:v60+s16+$0x0] =	vst.idx.msk $0xffff, v0  }
0x109: {  	v4 =	vld [tilespmem:$0x1FFA0]  }
0x10a: {  	v61 =	vld [tilespmem:s24+$0xFFFFFFE0]  }
0x10b: {  	v62 =	vld [tilespmem:s24+$0x20];
	v1 =	vmul.f32 $8.000000000e+00, v32  }
0x10c: {  	v63 =	vld [tilespmem:s24+$0x60]  }
0x10d: {  	v41 =	vld [tilespmem:s24+$0xA0];
	[tilespmem:v47+s16+$0x0] =	vst.idx.msk $0xffff, v1  }
0x10e: {  	s29 =	simm.s32 $0xC;
	v44 =	vadd.s32 v19, v37;
	v32 =	vmov v4;
	v52 =	vadd.s32 v4, v35;
	v4 =	vld [tilespmem:$0x1FFE0]  }
0x10f: {  	v51 =	vmov s29;
	v57 =	vld [tilespmem:s24+$0xF0]  }
0x110: {  	v59 =	vshrl.u32 v51, $0x3;
	v51 =	vld [tilespmem:s24+$0xFFFFFF30];
	v3 =	vadd.s32 v13, v36  }
0x111: {  	v0 =	vmul.f32 $8.000000000e+00, v61;
	v53 =	vld [tilespmem:s24+$0xFFFFFF70]  }
0x112: {  	v45 =	vshll.u32 v54, v2;
	v50 =	vld [tilespmem:s24+$0xFFFFFFB0]  }
0x113: {  	v1 =	vmul.f32 $8.000000000e+00, v62;
	v31 =	vmov v4;
	v54 =	vadd.s32 v4, v42;
	v4 =	vld [tilespmem:$0x1FFC0];
	[tilespmem:v44+s16+$0x0] =	vst.idx.msk $0xffff, v0  }
0x114: {  	v0 =	vld [tilespmem:$0x1FFD0]  }
0x115: {  	s28 =	simm.s32 $0xB;
	v55 =	vld [tilespmem:s24+$0xFFFFFFF0];
	[tilespmem:v3+s16+$0x0] =	vst.idx.msk $0xffff, v1  }
0x116: {  	v49 =	vmov s28;
	v23 =	vld [tilespmem:$0x1FF30]  }
0x117: {  	v46 =	vshrl.u32 v46, $0x3;
	v49 =	vshrl.u32 v49, $0x3;
	v20 =	vld [tilespmem:$0x1FF70]  }
0x118: {  	v48 =	vshll.u32 v46, v2;
	v46 =	vshll.u32 v49, v2;
	v47 =	vshll.u32 v59, v2;
	v24 =	vld [tilespmem:$0x1FF90]  }
0x119: {  	v41 =	vmul.f32 $8.000000000e+00, v41;
	v56 =	vadd.s32 v27, v34;
	v44 =	vshll.u32 v58, v2;
	v28 =	vld [tilespmem:$0x1FFB0]  }
0x11a: {  	s25 =	simm.s32 $0x10;
	s26 =	simm.s32 $0xF;
	v49 =	vadd.s32 v4, v40;
	v40 =	vmul.f32 $8.000000000e+00, v63;
	v42 =	vadd.s32 v0, v16;
	v16 =	vld [tilespmem:$0x1FF50]  }
.LBB2_11:
0x11b: {  	_ =	sdelay $0x2  }
0x11c: {  	v0 =	vmov s26;
	v3 =	vld [tilespmem:s24+$0x30];
	[tilespmem:v56+s16+$0x0] =	vst.idx.msk $0xffff, v40  }
0x11d: {  	v1 =	vadd.s32 v23, v38;
	v37 =	vadd.s32 v16, v37;
	[tilespmem:v52+s16+$0x0] =	vst.idx.msk $0xffff, v41;
	v58 =	vld [tilespmem:s24+$0x70];
	v4 =	vmul.f32 $8.000000000e+00, v57  }
0x11e: {  	v36 =	vadd.s32 v20, v36;
	v0 =	vshrl.u32 v0, $0x3;
	v52 =	vld [tilespmem:s24+$0xB0];
	v57 =	vmul.f32 $8.000000000e+00, v51  }
0x11f: {  	v0 =	vshll.u32 v0, v2;
	s24 =	sadd.s32 $0x200, s24;
	v59 =	vmul.f32 $8.000000000e+00, v53;
	v60 =	vmul.f32 $8.000000000e+00, v55;
	v55 =	vld [tilespmem:$0x1FFF0];
	[tilespmem:v54+s16+$0x0] =	vst.idx.msk $0xffff, v4  }
0x120: {  	v34 =	vadd.s32 v24, v34;
	v41 =	vbroadcast v0, $0x0;
	v0 =	vmul.f32 $8.000000000e+00, v50;
	[tilespmem:v49+s16+$0x0] =	vst.idx.msk $0xffff, v57;
	v4 =	vld [tilespmem:s24+$0xC0]  }
0x121: {  	v35 =	vadd.s32 v28, v35;
	[tilespmem:v42+s16+$0x0] =	vst.idx.msk $0xffff, v59;
	v49 =	vld [tilespmem:s24+$0xFFFFFF00]  }
0x122: {  	v40 =	vmovc v39;
	v61 =	vadd.s32 v33, v41;
	v42 =	vbroadcast v48, $0x0;
	[tilespmem:v1+s16+$0x0] =	vst.idx.msk $0xffff, v0;
	v0 =	vmul.f32 $8.000000000e+00, v3;
	v51 =	vld [tilespmem:s24+$0xFFFFFF40]  }
0x123: {  	v1 =	vadd.s32 v5, v40;
	[tilespmem:v37+s16+$0x0] =	vst.idx.msk $0xffff, v60;
	v3 =	vld [tilespmem:s24+$0xFFFFFF80];
	v39 =	vmul.f32 $8.000000000e+00, v58  }
0x124: {  	v38 =	vbroadcast v45, $0x0;
	v50 =	vld [tilespmem:s24+$0xFFFFFFC0];
	v45 =	vadd.s32 v9, v42;
	[tilespmem:v36+s16+$0x0] =	vst.idx.msk $0xffff, v0;
	v0 =	vmul.f32 $8.000000000e+00, v52  }
0x125: {  	v43 =	vshll.u32 v43, v2;
	v37 =	vbroadcast v46, $0x0;
	v56 =	vld [tilespmem:s24+$0x0];
	[tilespmem:v34+s16+$0x0] =	vst.idx.msk $0xffff, v39;
	v4 =	vmul.f32 $8.000000000e+00, v4  }
0x126: {  	v36 =	vbroadcast v47, $0x0;
	v46 =	vadd.s32 v55, v38;
	v57 =	vld [tilespmem:s24+$0x40];
	[tilespmem:v35+s16+$0x0] =	vst.idx.msk $0xffff, v0;
	v62 =	vmul.f32 $8.000000000e+00, v49  }
0x127: {  	v63 =	vadd.s32 v17, v37;
	v34 =	vbroadcast v44, $0x0;
	v59 =	vld [tilespmem:s24+$0x80];
	v0 =	vmul.f32 $8.000000000e+00, v51;
	[tilespmem:v61+s16+$0x0] =	vst.idx.msk $0xffff, v4  }
0x128: {  	v58 =	vadd.s32 v21, v36;
	v35 =	vbroadcast v43, $0x0;
	[tilespmem:v1+s16+$0x0] =	vst.idx.msk $0xffff, v62;
	v60 =	vld [tilespmem:s24+$0xD0]  }
0x129: {  	v1 =	vmul.f32 $8.000000000e+00, v3;
	v3 =	vadd.s32 v25, v34;
	[tilespmem:v45+s16+$0x0] =	vst.idx.msk $0xffff, v0;
	v61 =	vld [tilespmem:s24+$0xFFFFFF10]  }
0x12a: {  	v0 =	vmul.f32 $8.000000000e+00, v50;
	v45 =	vadd.s32 v29, v35;
	v62 =	vld [tilespmem:s24+$0xFFFFFF50]  }
0x12b: {  	[tilespmem:v46+s16+$0x0] =	vst.idx.msk $0xffff, v1;
	v1 =	vmul.f32 $8.000000000e+00, v56;
	v46 =	vadd.s32 v8, v41  }
0x12c: {  	v49 =	vadd.s32 v10, v42;
	[tilespmem:v63+s16+$0x0] =	vst.idx.msk $0xffff, v0;
	v0 =	vmul.f32 $8.000000000e+00, v57;
	v54 =	vld [tilespmem:s24+$0xFFFFFF90]  }
0x12d: {  	v53 =	vadd.s32 v6, v40;
	v55 =	vld [tilespmem:s24+$0xFFFFFFD0];
	[tilespmem:v58+s16+$0x0] =	vst.idx.msk $0xffff, v1;
	v1 =	vmul.f32 $8.000000000e+00, v59  }
0x12e: {  	v51 =	vadd.s32 v14, v38;
	v4 =	vmov s25;
	v56 =	vld [tilespmem:s24+$0x10];
	[tilespmem:v3+s16+$0x0] =	vst.idx.msk $0xffff, v0;
	v0 =	vmul.f32 $8.000000000e+00, v60  }
0x12f: {  	v63 =	vmul.f32 $8.000000000e+00, v61;
	v60 =	vadd.s32 v18, v37;
	v61 =	vld [tilespmem:s24+$0x50];
	[tilespmem:v45+s16+$0x0] =	vst.idx.msk $0xffff, v1;
	v62 =	vmul.f32 $8.000000000e+00, v62  }
0x130: {  	v50 =	vadd.s32 v22, v36;
	v4 =	vshrl.u32 v4, $0x3;
	v58 =	vld [tilespmem:s24+$0x90];
	[tilespmem:v46+s16+$0x0] =	vst.idx.msk $0xffff, v0  }
0x131: {  	s30 =	sadd.s32 $0x1, s25;
	v39 =	vadd.s32 v26, v34;
	v0 =	vshll.u32 v4, v2;
	v4 =	vmul.f32 $8.000000000e+00, v54;
	[tilespmem:v49+s16+$0x0] =	vst.idx.msk $0xffff, v62;
	v46 =	vld [tilespmem:s24+$0xE0]  }
0x132: {  	s31 =	sadd.s32 $0x2, s25;
	v48 =	vmov s30;
	[tilespmem:v53+s16+$0x0] =	vst.idx.msk $0xffff, v63;
	v63 =	vmul.f32 $8.000000000e+00, v55;
	v49 =	vadd.s32 v30, v35;
	v54 =	vld [tilespmem:s24+$0xFFFFFF60]  }
0x133: {  	s28 =	sadd.s32 $0x3, s25;
	v48 =	vshrl.u32 v48, $0x3;
	v52 =	vmov s31;
	v53 =	vld [tilespmem:s24+$0xFFFFFF20];
	[tilespmem:v51+s16+$0x0] =	vst.idx.msk $0xffff, v4;
	v4 =	vmul.f32 $8.000000000e+00, v56  }
0x134: {  	v47 =	vmov s28;
	v59 =	vadd.s32 v11, v42;
	v56 =	vld [tilespmem:s24+$0xFFFFFFA0];
	[tilespmem:v60+s16+$0x0] =	vst.idx.msk $0xffff, v63;
	v43 =	vmul.f32 $8.000000000e+00, v61  }
0x135: {  	s29 =	sadd.s32 $0x4, s25;
	v48 =	vshll.u32 v48, v2;
	v51 =	vadd.s32 v12, v41;
	v60 =	vld [tilespmem:s24+$0xFFFFFFE0];
	[tilespmem:v50+s16+$0x0] =	vst.idx.msk $0xffff, v4;
	v4 =	vmul.f32 $8.000000000e+00, v58  }
0x136: {  	v44 =	vmov s29;
	v52 =	vshrl.u32 v52, $0x3;
	v55 =	vadd.s32 v7, v40;
	v58 =	vld [tilespmem:s24+$0x20];
	[tilespmem:v39+s16+$0x0] =	vst.idx.msk $0xffff, v43  }
0x137: {  	s31 =	sadd.s32 $0x6, s25;
	v47 =	vshrl.u32 v47, $0x3;
	v39 =	vbroadcast v0, $0x0;
	v62 =	vld [tilespmem:s24+$0x60];
	[tilespmem:v49+s16+$0x0] =	vst.idx.msk $0xffff, v4;
	v0 =	vmul.f32 $8.000000000e+00, v54  }
0x138: {  	v1 =	vmov s31;
	v50 =	vadd.s32 v15, v38;
	v57 =	vmul.f32 $8.000000000e+00, v46;
	v63 =	vld [tilespmem:s24+$0xA0]  }
0x139: {  	s30 =	sadd.s32 $0x5, s25;
	v61 =	vadd.s32 v19, v37;
	v43 =	vshrl.u32 v1, $0x3;
	v1 =	vmul.f32 $8.000000000e+00, v53;
	[tilespmem:v59+s16+$0x0] =	vst.idx.msk $0xffff, v0;
	v59 =	vld [tilespmem:$0x1FFC0]  }
0x13a: {  	p0 =	slt.u32 s25, $0x78;
	v3 =	vmov s30;
	v4 =	vadd.s32 v13, v36;
	[tilespmem:v51+s16+$0x0] =	vst.idx.msk $0xffff, v57;
	v0 =	vmul.f32 $8.000000000e+00, v60;
	v60 =	vld [tilespmem:$0x1FFD0]  }
.Ltmp6:
0x13b: {  	v44 =	vshrl.u32 v44, $0x3;
	v3 =	vshrl.u32 v3, $0x3;
	[tilespmem:v55+s16+$0x0] =	vst.idx.msk $0xffff, v1;
	v1 =	vmul.f32 $8.000000000e+00, v56;
	v57 =	vld [tilespmem:s24+$0xF0];
	(pc) =	sbr.rel @p0 .LBB2_11-.Ltmp6, $4  }
0x13c: {  	v45 =	vshll.u32 v52, v2;
	v52 =	vadd.s32 v32, v35;
	v46 =	vshll.u32 v47, v2;
	v51 =	vld [tilespmem:s24+$0xFFFFFF30]  }
0x13d: {  	v54 =	vadd.s32 v31, v41;
	v47 =	vshll.u32 v44, v2;
	v53 =	vld [tilespmem:s24+$0xFFFFFF70];
	[tilespmem:v50+s16+$0x0] =	vst.idx.msk $0xffff, v1;
	v1 =	vmul.f32 $8.000000000e+00, v58  }
0x13e: {  	v44 =	vshll.u32 v3, v2;
	v56 =	vadd.s32 v27, v34;
	v50 =	vld [tilespmem:s24+$0xFFFFFFB0];
	[tilespmem:v61+s16+$0x0] =	vst.idx.msk $0xffff, v0;
	v41 =	vmul.f32 $8.000000000e+00, v63  }
0x13f: {  	s26 =	sadd.s32 $0x7, s25;
	s25 =	sadd.s32 $0x8, s25;
	v55 =	vld [tilespmem:s24+$0xFFFFFFF0];
	[tilespmem:v4+s16+$0x0] =	vst.idx.msk $0xffff, v1;
	v49 =	vadd.s32 v59, v40;
	v40 =	vmul.f32 $8.000000000e+00, v62;
	v42 =	vadd.s32 v60, v42  }
0x140: {  	_ =	sdelay $0x3  }
0x141: {  	v1 =	vadd.s32 v23, v38;
	v3 =	vld [tilespmem:s24+$0x30];
	v4 =	vmul.f32 $8.000000000e+00, v57;
	[tilespmem:v52+s16+$0x0] =	vst.idx.msk $0xffff, v41  }
0x142: {  	v37 =	vadd.s32 v16, v37;
	[tilespmem:v56+s16+$0x0] =	vst.idx.msk $0xffff, v40;
	v63 =	vmul.f32 $8.000000000e+00, v51  }
0x143: {  	v36 =	vadd.s32 v20, v36;
	v56 =	vmul.f32 $8.000000000e+00, v53;
	[tilespmem:v54+s16+$0x0] =	vst.idx.msk $0xffff, v4  }
0x144: {  	[tilespmem:v49+s16+$0x0] =	vst.idx.msk $0xffff, v63;
	v57 =	vmul.f32 $8.000000000e+00, v50  }
0x145: {  	[tilespmem:v42+s16+$0x0] =	vst.idx.msk $0xffff, v56;
	v62 =	vmul.f32 $8.000000000e+00, v55  }
0x146: {  	v51 =	vld [tilespmem:s24+$0xB0];
	[tilespmem:v1+s16+$0x0] =	vst.idx.msk $0xffff, v57;
	v1 =	vmul.f32 $8.000000000e+00, v3  }
0x147: {  	v0 =	vmov s26;
	s31 =	sadd.s32 $0x200, s24;
	v40 =	vld [tilespmem:s24+$0x70];
	[tilespmem:v37+s16+$0x0] =	vst.idx.msk $0xffff, v62  }
0x148: {  	v0 =	vshrl.u32 v0, $0x3;
	v61 =	vld [tilespmem:s31+$0xFFFFFF00];
	[tilespmem:v36+s16+$0x0] =	vst.idx.msk $0xffff, v1  }
0x149: {  	v58 =	vmov v16;
	v34 =	vadd.s32 v24, v34;
	v0 =	vshll.u32 v0, v2;
	v16 =	vld [tilespmem:$0x1FFF0]  }
0x14a: {  	v35 =	vadd.s32 v28, v35;
	v4 =	vld [tilespmem:s31+$0xC0];
	v0 =	vbroadcast v0, $0x0  }
0x14b: {  	v43 =	vshll.u32 v43, v2;
	v48 =	vbroadcast v48, $0x0;
	v63 =	vld [tilespmem:s31+$0xFFFFFF40];
	v3 =	vadd.s32 v5, v39  }
0x14c: {  	v45 =	vbroadcast v45, $0x0;
	v38 =	vld [tilespmem:s31+$0xFFFFFF80];
	v50 =	vadd.s32 v33, v0;
	v56 =	vmul.f32 $8.000000000e+00, v40  }
0x14d: {  	v46 =	vbroadcast v46, $0x0;
	v41 =	vld [tilespmem:s31+$0xFFFFFFC0];
	v40 =	vadd.s32 v9, v48;
	v1 =	vmul.f32 $8.000000000e+00, v51  }
0x14e: {  	v47 =	vbroadcast v47, $0x0;
	v57 =	vmul.f32 $8.000000000e+00, v61;
	v51 =	vld [tilespmem:s31+$0x0];
	[tilespmem:v34+s16+$0x0] =	vst.idx.msk $0xffff, v56;
	v36 =	vadd.s32 v16, v45  }
0x14f: {  	v44 =	vbroadcast v44, $0x0;
	v37 =	vadd.s32 v17, v46;
	v61 =	vld [tilespmem:s31+$0x40];
	v4 =	vmul.f32 $8.000000000e+00, v4;
	[tilespmem:v35+s16+$0x0] =	vst.idx.msk $0xffff, v1  }
0x150: {  	v43 =	vbroadcast v43, $0x0;
	v62 =	vadd.s32 v21, v47;
	v1 =	vmul.f32 $8.000000000e+00, v63;
	v63 =	vld [tilespmem:s31+$0x80];
	[tilespmem:v3+s16+$0x0] =	vst.idx.msk $0xffff, v57  }
0x151: {  	[tilespmem:v50+s16+$0x0] =	vst.idx.msk $0xffff, v4;
	v3 =	vmul.f32 $8.000000000e+00, v38;
	v4 =	vadd.s32 v25, v44;
	v38 =	vld [tilespmem:s31+$0xFFFFFF10]  }
0x152: {  	v34 =	vld [tilespmem:s31+$0xD0];
	[tilespmem:v40+s16+$0x0] =	vst.idx.msk $0xffff, v1;
	v1 =	vmul.f32 $8.000000000e+00, v41;
	v40 =	vadd.s32 v29, v43  }
0x153: {  	v50 =	vadd.s32 v6, v39;
	v41 =	vld [tilespmem:s31+$0xFFFFFF50];
	[tilespmem:v36+s16+$0x0] =	vst.idx.msk $0xffff, v3;
	v3 =	vmul.f32 $8.000000000e+00, v51  }
0x154: {  	[tilespmem:v37+s16+$0x0] =	vst.idx.msk $0xffff, v1;
	v1 =	vmul.f32 $8.000000000e+00, v61;
	v36 =	vadd.s32 v8, v0;
	v51 =	vld [tilespmem:s31+$0xFFFFFF90]  }
0x155: {  	v54 =	vadd.s32 v10, v48;
	v56 =	vld [tilespmem:s31+$0xFFFFFFD0];
	[tilespmem:v62+s16+$0x0] =	vst.idx.msk $0xffff, v3;
	v3 =	vmul.f32 $8.000000000e+00, v63  }
0x156: {  	v35 =	vadd.s32 v14, v45;
	[tilespmem:v4+s16+$0x0] =	vst.idx.msk $0xffff, v1;
	v4 =	vmul.f32 $8.000000000e+00, v38;
	v53 =	vld [tilespmem:s31+$0x10]  }
0x157: {  	v61 =	vadd.s32 v18, v46;
	v1 =	vmul.f32 $8.000000000e+00, v34;
	v63 =	vld [tilespmem:s31+$0x50];
	[tilespmem:v40+s16+$0x0] =	vst.idx.msk $0xffff, v3  }
0x158: {  	[tilespmem:v50+s16+$0x0] =	vst.idx.msk $0xffff, v4;
	v3 =	vmul.f32 $8.000000000e+00, v41;
	v40 =	vadd.s32 v22, v47;
	v41 =	vld [tilespmem:s31+$0x90]  }
0x159: {  	v4 =	vadd.s32 v26, v44;
	v50 =	vld [tilespmem:s31+$0xFFFFFF20];
	[tilespmem:v36+s16+$0x0] =	vst.idx.msk $0xffff, v1;
	v1 =	vmul.f32 $8.000000000e+00, v51  }
0x15a: {  	v36 =	vld [tilespmem:s31+$0xE0];
	[tilespmem:v54+s16+$0x0] =	vst.idx.msk $0xffff, v3;
	v3 =	vmul.f32 $8.000000000e+00, v56;
	v54 =	vadd.s32 v30, v43  }
0x15b: {  	v42 =	vadd.s32 v7, v39;
	v56 =	vld [tilespmem:s31+$0xFFFFFF60];
	[tilespmem:v35+s16+$0x0] =	vst.idx.msk $0xffff, v1;
	v1 =	vmul.f32 $8.000000000e+00, v53  }
0x15c: {  	v35 =	vadd.s32 v12, v0;
	[tilespmem:v61+s16+$0x0] =	vst.idx.msk $0xffff, v3;
	v3 =	vmul.f32 $8.000000000e+00, v63;
	v51 =	vld [tilespmem:s31+$0xFFFFFFA0]  }
0x15d: {  	v61 =	vadd.s32 v11, v48;
	v63 =	vld [tilespmem:s31+$0xFFFFFFE0];
	[tilespmem:v40+s16+$0x0] =	vst.idx.msk $0xffff, v1;
	v1 =	vmul.f32 $8.000000000e+00, v41  }
0x15e: {  	v40 =	vadd.s32 v15, v45;
	[tilespmem:v4+s16+$0x0] =	vst.idx.msk $0xffff, v3;
	v4 =	vmul.f32 $8.000000000e+00, v50;
	v41 =	vld [tilespmem:s31+$0x20]  }
0x15f: {  	v3 =	vmul.f32 $8.000000000e+00, v36;
	v36 =	vadd.s32 v19, v46;
	v53 =	vld [tilespmem:s31+$0x60];
	[tilespmem:v54+s16+$0x0] =	vst.idx.msk $0xffff, v1  }
0x160: {  	v1 =	vmul.f32 $8.000000000e+00, v56;
	v54 =	vadd.s32 v13, v47;
	[tilespmem:v42+s16+$0x0] =	vst.idx.msk $0xffff, v4;
	v56 =	vld [tilespmem:s31+$0xA0]  }
0x161: {  	v4 =	vadd.s32 v27, v44;
	[tilespmem:v35+s16+$0x0] =	vst.idx.msk $0xffff, v3;
	v42 =	vld [tilespmem:s31+$0xFFFFFF30];
	v3 =	vmul.f32 $8.000000000e+00, v51  }
0x162: {  	v35 =	vld [tilespmem:s31+$0xF0];
	[tilespmem:v61+s16+$0x0] =	vst.idx.msk $0xffff, v1;
	v1 =	vmul.f32 $8.000000000e+00, v63;
	v61 =	vadd.s32 v32, v43  }
0x163: {  	v39 =	vadd.s32 v59, v39;
	v63 =	vld [tilespmem:s31+$0xFFFFFF70];
	[tilespmem:v40+s16+$0x0] =	vst.idx.msk $0xffff, v3;
	v3 =	vmul.f32 $8.000000000e+00, v41  }
0x164: {  	v0 =	vadd.s32 v31, v0;
	[tilespmem:v36+s16+$0x0] =	vst.idx.msk $0xffff, v1;
	v1 =	vmul.f32 $8.000000000e+00, v53;
	v40 =	vld [tilespmem:s31+$0xFFFFFFB0]  }
0x165: {  	v51 =	vadd.s32 v60, v48;
	v53 =	vld [tilespmem:s31+$0xFFFFFFF0];
	[tilespmem:v54+s16+$0x0] =	vst.idx.msk $0xffff, v3;
	v3 =	vmul.f32 $8.000000000e+00, v56  }
0x166: {  	v54 =	vadd.s32 v23, v45;
	[tilespmem:v4+s16+$0x0] =	vst.idx.msk $0xffff, v1;
	v4 =	vmul.f32 $8.000000000e+00, v42;
	v56 =	vld [tilespmem:s31+$0x30]  }
0x167: {  	v59 =	vadd.s32 v58, v46;
	v1 =	vmul.f32 $8.000000000e+00, v35;
	v60 =	vld [tilespmem:s31+$0x70];
	[tilespmem:v61+s16+$0x0] =	vst.idx.msk $0xffff, v3  }
0x168: {  	v3 =	vmul.f32 $8.000000000e+00, v63;
	v61 =	vadd.s32 v20, v47;
	[tilespmem:v39+s16+$0x0] =	vst.idx.msk $0xffff, v4;
	v63 =	vld [tilespmem:s31+$0xB0]  }
0x169: {  	[tilespmem:v0+s16+$0x0] =	vst.idx.msk $0xffff, v1;
	v1 =	vadd.s32 v24, v44;
	v0 =	vmul.f32 $8.000000000e+00, v40  }
0x16a: {  	v4 =	vadd.s32 v28, v43;
	[tilespmem:v51+s16+$0x0] =	vst.idx.msk $0xffff, v3;
	v3 =	vmul.f32 $8.000000000e+00, v53  }
0x16b: {  	[tilespmem:v54+s16+$0x0] =	vst.idx.msk $0xffff, v0;
	v0 =	vmul.f32 $8.000000000e+00, v56  }
0x16c: {  	s22 =	sand.u32 $0x3, s22;
	[tilespmem:v59+s16+$0x0] =	vst.idx.msk $0xffff, v3;
	v3 =	vmul.f32 $8.000000000e+00, v60  }
0x16d: {  	s22 =	sor.u32 s6, s22;
	[tilespmem:v61+s16+$0x0] =	vst.idx.msk $0xffff, v0;
	v0 =	vmul.f32 $8.000000000e+00, v63  }
0x16e: {  	s22 =	sshll.u32 s22, $0x7;
	[tilespmem:v1+s16+$0x0] =	vst.idx.msk $0xffff, v3  }
0x16f: {  	s24 =	simm.s32 $0x12A00;
	s23 =	sadd.s32 s22, s23;
	[tilespmem:v4+s16+$0x0] =	vst.idx.msk $0xffff, v0  }
0x170: {  	[hbm4b:s23+s3] =	stream.linear.scatter [tilespmem:s24], [sflag:$0x4], $0x80, $0x38;
	[tilespmem:$0x14C00] =	vst v63  }
0x171: {  	s25 =	simm.s32 $0x12A88;
	s26 =	sadd.s32 $0x10, s23  }
0x172: {  	[hbm4b:s26+s3] =	stream.linear.scatter [tilespmem:s25], [sflag:$0x4], $0x80, $0x38;
	[tilespmem:$0x14C00] =	vst v63  }
0x173: {  	s28 =	simm.s32 $0x12B10;
	s30 =	simm.s32 $0x12B98;
	s29 =	sadd.s32 $0x20, s23  }
0x174: {  	[hbm4b:s29+s3] =	stream.linear.scatter [tilespmem:s28], [sflag:$0x4], $0x80, $0x38;
	[tilespmem:$0x14C00] =	vst v63  }
0x175: {  	s22 =	simm.s32 $0x440;
	s31 =	sadd.s32 $0x30, s23;
	s24 =	simm.s32 $0x2200  }
0x176: {  	[hbm4b:s31+s3] =	stream.linear.scatter [tilespmem:s30], [sflag:$0x4], $0x80, $0x38;
	[tilespmem:$0x14C00] =	vst v63  }
0x177: {  	s25 =	simm.s32 $0x12C20;
	s26 =	sadd.s32 $0x40, s23;
	s28 =	simm.s32 $0x12CA8  }
0x178: {  	[hbm4b:s26+s3] =	stream.linear.scatter [tilespmem:s25], [sflag:$0x4], $0x80, $0x38;
	[tilespmem:$0x14C00] =	vst v63  }
0x179: {  	s29 =	sadd.s32 $0x50, s23;
	s30 =	simm.s32 $0x12D30;
	s31 =	sadd.s32 $0x60, s23  }
0x17a: {  	[hbm4b:s29+s3] =	stream.linear.scatter [tilespmem:s28], [sflag:$0x4], $0x80, $0x38;
	[tilespmem:$0x14C00] =	vst v63  }
0x17b: {  	v52 =	vmovc v9;
	v55 =	vmov v21;
	v9 =	vmov v5;
	v57 =	vmov v29;
	s25 =	simm.s32 $0x12DB8;
	s26 =	sadd.s32 $0x70, s23;
	s23 =	sadd.s32 $0x4000, s23  }
0x17c: {  	v29 =	vmovc v25;
	v62 =	vmovc v14;
	v13 =	vmov v16;
	v1 =	vmov v26;
	v4 =	vmov v52;
	[hbm4b:s31+s3] =	stream.linear.scatter [tilespmem:s30], [sflag:$0x4], $0x80, $0x38;
	[tilespmem:$0x14C00] =	vst v63  }
.LBB2_13:
0x17d: {  	[hbm4b:s26+s3] =	stream.linear.scatter [tilespmem:s25], [sflag:$0x4], $0x80, $0x38;
	[tilespmem:$0x14C00] =	vst v63  }
0x17e: {  	s25 =	smov.u32 s22;
	s22 =	smov.u32 s24  }
0x17f: {  	s28 =	sadd.s32 $0x1100, s24;
	s22 =	sshra.s32 s22, $0x2;
	s26 =	sadd.s32 $0x12A00, s25  }
0x180: {  	[hbm4b:s23+s3] =	stream.linear.scatter [tilespmem:s26], [sflag:$0x4], $0x80, $0x38;
	[tilespmem:$0x14C00] =	vst v63  }
0x181: {  	p0 =	sne.s32 s24, $0x7700;
	s24 =	sadd.s32 $0x12A88, s25;
	s26 =	sadd.s32 $0x10, s23  }
0x182: {  	[hbm4b:s26+s3] =	stream.linear.scatter [tilespmem:s24], [sflag:$0x4], $0x80, $0x38;
	[tilespmem:$0x14C00] =	vst v63  }
0x183: {  	s24 =	sadd.s32 $0x12B10, s25;
	s26 =	sadd.s32 $0x20, s23  }
0x184: {  	[hbm4b:s26+s3] =	stream.linear.scatter [tilespmem:s24], [sflag:$0x4], $0x80, $0x38;
	[tilespmem:$0x14C00] =	vst v63  }
0x185: {  	s24 =	sadd.s32 $0x12B98, s25;
	s26 =	sadd.s32 $0x30, s23  }
0x186: {  	[hbm4b:s26+s3] =	stream.linear.scatter [tilespmem:s24], [sflag:$0x4], $0x80, $0x38;
	[tilespmem:$0x14C00] =	vst v63  }
0x187: {  	s24 =	sadd.s32 $0x12C20, s25;
	s26 =	sadd.s32 $0x40, s23  }
0x188: {  	[hbm4b:s26+s3] =	stream.linear.scatter [tilespmem:s24], [sflag:$0x4], $0x80, $0x38;
	[tilespmem:$0x14C00] =	vst v63  }
.Ltmp7:
0x189: {  	s24 =	sadd.s32 $0x12CA8, s25;
	s26 =	sadd.s32 $0x50, s23;
	(pc) =	sbr.rel @p0 .LBB2_13-.Ltmp7, $4  }
0x18a: {  	[hbm4b:s26+s3] =	stream.linear.scatter [tilespmem:s24], [sflag:$0x4], $0x80, $0x38;
	[tilespmem:$0x14C00] =	vst v63  }
0x18b: {  	s24 =	sadd.s32 $0x12D30, s25;
	s26 =	sadd.s32 $0x60, s23;
	s25 =	sadd.s32 $0x12DB8, s25  }
0x18c: {  	[hbm4b:s26+s3] =	stream.linear.scatter [tilespmem:s24], [sflag:$0x4], $0x80, $0x38;
	[tilespmem:$0x14C00] =	vst v63  }
0x18d: {  	s26 =	sadd.s32 $0x70, s23;
	s23 =	sadd.s32 $0x4000, s23;
	s24 =	smov.u32 s28  }
0x18e: {  	[hbm4b:s26+s3] =	stream.linear.scatter [tilespmem:s25], [sflag:$0x4], $0x80, $0x38;
	[tilespmem:$0x14C00] =	vst v63  }
0x18f: {  	s24 =	sadd.s32 $0x12A00, s22  }
0x190: {  	[hbm4b:s23+s3] =	stream.linear.scatter [tilespmem:s24], [sflag:$0x4], $0x80, $0x38;
	[tilespmem:$0x14C00] =	vst v63  }
0x191: {  	s30 =	sadd.s32 $0x12A88, s22;
	s31 =	sadd.s32 $0x10, s23  }
0x192: {  	[hbm4b:s31+s3] =	stream.linear.scatter [tilespmem:s30], [sflag:$0x4], $0x80, $0x38;
	[tilespmem:$0x14C00] =	vst v63  }
0x193: {  	s25 =	sadd.s32 $0x12B10, s22;
	s26 =	sadd.s32 $0x20, s23  }
0x194: {  	[hbm4b:s26+s3] =	stream.linear.scatter [tilespmem:s25], [sflag:$0x4], $0x80, $0x38;
	[tilespmem:$0x14C00] =	vst v63  }
0x195: {  	s28 =	sadd.s32 $0x12B98, s22;
	s29 =	sadd.s32 $0x30, s23  }
0x196: {  	[hbm4b:s29+s3] =	stream.linear.scatter [tilespmem:s28], [sflag:$0x4], $0x80, $0x38;
	[tilespmem:$0x14C00] =	vst v63  }
0x197: {  	s30 =	sadd.s32 $0x12C20, s22;
	s31 =	sadd.s32 $0x40, s23  }
0x198: {  	[hbm4b:s31+s3] =	stream.linear.scatter [tilespmem:s30], [sflag:$0x4], $0x80, $0x38;
	[tilespmem:$0x14C00] =	vst v63  }
0x199: {  	s25 =	sadd.s32 $0x12CA8, s22;
	s26 =	sadd.s32 $0x50, s23  }
0x19a: {  	[hbm4b:s26+s3] =	stream.linear.scatter [tilespmem:s25], [sflag:$0x4], $0x80, $0x38;
	[tilespmem:$0x14C00] =	vst v63  }
0x19b: {  	p0 =	seq.s32 s21, $0x63;
	s28 =	sadd.s32 $0x12D30, s22;
	s29 =	sadd.s32 $0x60, s23  }
0x19c: {  	[hbm4b:s29+s3] =	stream.linear.scatter [tilespmem:s28], [sflag:$0x4], $0x80, $0x38;
	[tilespmem:$0x14C00] =	vst v63  }
.Ltmp8:
0x19d: {  	s30 =	sadd.s32 $0x12DB8, s22;
	s31 =	sadd.s32 $0x70, s23;
	(pc) =	sbr.rel @p0 .LBB2_16-.Ltmp8, $4  }
0x19e: {  	[hbm4b:s31+s3] =	stream.linear.scatter [tilespmem:s30], [sflag:$0x4], $0x80, $0x38;
	[tilespmem:$0x14C00] =	vst v63  }
0x19f: {  	_ =	swait.ge [sflag:s17], $0x2000  }
0x1a0: {  	[sflag:s17] =	ssyncset.done $0x0  }
0x1a1: {  	v0 =	vld [tilespmem:$0x1FF10];
	[sflag:s17] =	ssyncadd.s32 $0xFFFFE000  }
.Ltmp9:
0x1a2: {  	(pc) =	sbr.rel .LBB2_6-.Ltmp9, $4  }
0x1a3: {  	s22 =	sshll.u32 s21, $0x8  }
0x1a4: {  	s22 =	sand.u32 $0x3FFFFF00, s22  }
0x1a5: {  	s21 =	sadd.s32 $0x1, s21;
	v23 =	vld [tilespmem:$0x1FF60];
	s22 =	sadd.s32 $0x6500, s22  }
0x1a6: {  	v27 =	vld [tilespmem:$0x1FF80];
	[tilespmem:s11], [sflag:$0x1] =	stream.indirect.gather [hbm4b:s4+s9], $0x40, s22, s9, $0xb8  }
.LBB2_17:
0x1a7: {  	_ =	sfence.sel $0x180000  }
0x1a8: {  	[bflag:$0x0] =	sbarrier.arrive $0xFFFF  }
0x1a9: {  	p0 =	sne.s32 s1, $0x0;
	_ =	strace $0x90000047  }
0x1aa: {  	s0 =	sadd.s32 @!p0 $0x100000, s2;
	[bflag:$0x2] =	sbarrier.arrive $0xFFFF  }
0x1ab: {  	[sflag:s0] =	ssyncadd.tile.s32 @!p0 $0x1;
	_ =	shalt  }
.Lfunc_end2:
_tile_overlayer_lowered:
.L_overlay_start_2:
0x1ac: {  	(tag) =	ssettag $0x2  }
0x1ad: {  	s0 =	rddreg [dreg:$0x0];
	s2 =	stileid.u32  }
0x1ae: {  	s1 =	rddreg [dreg:$0x1];
	p0 =	sne.s32 s2, $0x0  }
0x1af: {  	s3 =	rddreg [dreg:$0x2];
	[bflag:$0x3] =	sbarrier.arrive $0xFFFF;
	s2 =	simm.s32 @!p0 $0x1C05  }
0x1b0: {  	[timem:s3], [sflag:s2] =	dma.local @!p0 [hbm:s0], s1  }
0x1b1: {  	s0 =	simm.s32 @!p0 $0x5  }
0x1b2: {  	_ =	swait.ge @!p0 [sflag:s0], s1  }
0x1b3: {  	s1 =	ssub.s32 @!p0 $0x0, s1;
	[sflag:s0] =	ssyncset.done @!p0 $0x0  }
0x1b4: {  	[sflag:s0] =	ssyncadd.s32 @!p0 s1  }
0x1b5: {  	[bflag:$0x3] =	sbarrier.arrive $0xFFFF  }
0x1b6: {  	_ =	shalt  }

</sc_bundles>
